<compile_context>
chip_gen: v7x
topology: tpu7x:2x2x1
jax: 0.10.2.dev20260603
libtpu: 0.0.44.dev20260713+nightly
codegen_flags: <defaults>
</compile_context>

<pallas_src>
import functools
import jax
import jax.numpy as jnp
from jax import lax
from jax.experimental import pallas as pl
from jax.experimental.pallas import tpu as pltpu
from jax.experimental.pallas import tpu_sc as plsc

N = 10000
E = 320000
D = 128
HID = 64
F = 128
NW = 32
EPW = E // NW
NP = 10240
RPT = NP // 16
C3 = 80
ZR = 640


def _bf16_round(a):
    v = lax.bitcast_convert_type(a, jnp.uint32)
    r = v + jnp.uint32(0x7FFF) + ((v >> jnp.uint32(16)) & jnp.uint32(1))
    r = r & jnp.uint32(0xFFFF0000)
    return lax.bitcast_convert_type(r, jnp.float32)


def _k1_body(x_ref, wg_ref, att_ref, h_ref, asd_ref):
    h = jnp.dot(_bf16_round(x_ref[...]), _bf16_round(wg_ref[...]),
                preferred_element_type=jnp.float32)
    h_ref[...] = h
    att = att_ref[...]
    cols = [jnp.sum(h * att[k:k + 1, :], axis=1, keepdims=True)
            for k in range(4)]
    B = h.shape[0]
    asd_ref[...] = jnp.concatenate(
        cols + [jnp.zeros((B, 4), jnp.float32)], axis=1)


def _k1(x, W_gat, attT):
    B = 400
    return pl.pallas_call(
        _k1_body,
        grid=(N // B,),
        in_specs=[
            pl.BlockSpec((B, D), lambda i: (i, 0)),
            pl.BlockSpec((D, F), lambda i: (0, 0)),
            pl.BlockSpec((4, F), lambda i: (0, 0)),
        ],
        out_specs=[
            pl.BlockSpec((B, F), lambda i: (i, 0)),
            pl.BlockSpec((B, 8), lambda i: (i, 0)),
        ],
        out_shape=[
            jax.ShapeDtypeStruct((N, F), jnp.float32),
            jax.ShapeDtypeStruct((N, 8), jnp.float32),
        ],
    )(x, W_gat, attT)


def _k3_body(h_hbm, ts_hbm, td_hbm, src_hbm, dst_hbm, za_hbm, zb_hbm,
             outA, outB, srcv0, srcv1, dstv0, dstv1, rows0, rows1,
             dbuf0, dbuf1, tabs0, tabs1, tabd0, tabd1, sharedA, sharedB,
             semA0, semA1, semS0, semS1, semD0, semD1, semW0, semW1):
    c = lax.axis_index("c")
    s = lax.axis_index("s")
    wid = c * 16 + s
    pltpu.sync_copy(za_hbm.at[pl.ds(0, RPT)], sharedA.at[pl.ds(s * RPT, RPT)])
    pltpu.sync_copy(zb_hbm.at[pl.ds(0, RPT)], sharedB.at[pl.ds(s * RPT, RPT)])
    plsc.subcore_barrier()

    iota16 = lax.iota(jnp.int32, 16)
    base = wid * EPW
    bufs = ((srcv0, dstv0, rows0, tabs0, tabd0, dbuf0, semA0, semS0, semD0,
             semW0),
            (srcv1, dstv1, rows1, tabs1, tabd1, dbuf1, semA1, semS1, semD1,
             semW1))

    def _gathers(b):
        sv, dv, rw, tsv, tdv, db, sA, sS, sD, sW = bufs[b]
        return (pltpu.make_async_copy(h_hbm.at[sv], rw, sA),
                pltpu.make_async_copy(ts_hbm.at[sv], tsv, sS),
                pltpu.make_async_copy(td_hbm.at[dv], tdv, sD))

    def _scatters_start(b):
        sv, dv, rw, tsv, tdv, db, sA, sS, sD, sW = bufs[b]
        pltpu.async_copy(rw, sharedA.at[dv], sW, add=True)
        pltpu.async_copy(db, sharedB.at[dv], sW, add=True)

    def _scatters_wait(b):
        sv, dv, rw, tsv, tdv, db, sA, sS, sD, sW = bufs[b]
        pltpu.make_async_copy(rw, sharedA.at[dv], sW).wait()
        pltpu.make_async_copy(db, sharedB.at[dv], sW).wait()

    def _fetch_idx(g, b):
        sv, dv = bufs[b][0], bufs[b][1]
        off = base + g * C3
        pltpu.sync_copy(src_hbm.at[pl.ds(off, C3)], sv)
        pltpu.sync_copy(dst_hbm.at[pl.ds(off, C3)], dv)

    def _process(b):
        sv, dv, rw, tsv, tdv, db, _, _, _, _ = bufs[b]
        for cp in _gathers(b):
            cp.wait()

        def _edge(j, cc):
            ev = tsv[j, :] + tdv[j, :]
            ev = jnp.where(ev > 0, ev, ev * 0.2)
            xv = jnp.exp(ev)
            s0 = jnp.broadcast_to(xv[0], (16,))
            s1 = jnp.broadcast_to(xv[1], (16,))
            db[j, :] = jnp.where(iota16 < 8, s0, s1)
            for k in range(4):
                rw[j, pl.ds(k * 16, 16)] = rw[j, pl.ds(k * 16, 16)] * s0
            for k in range(4, 8):
                rw[j, pl.ds(k * 16, 16)] = rw[j, pl.ds(k * 16, 16)] * s1
            return cc

        lax.fori_loop(0, C3, _edge, 0)
        _scatters_start(b)

    _fetch_idx(0, 0)
    for cp in _gathers(0):
        cp.start()

    NCH = EPW // C3

    def _pair(i, carry):
        for b in range(2):
            g = 2 * i + b
            if b == 0:
                @pl.when(i > 0)
                def _drain():
                    _scatters_wait(1)
            else:
                _scatters_wait(0)
            _fetch_idx(g + 1, 1 - b)
            for cp in _gathers(1 - b):
                cp.start()
            _process(b)
        return carry

    lax.fori_loop(0, (NCH - 1) // 2, _pair, 0)
    _scatters_wait(1)
    _process(0)
    _scatters_wait(0)

    plsc.subcore_barrier()
    pltpu.sync_copy(sharedA.at[pl.ds(s * RPT, RPT)],
                    outA.at[c, pl.ds(s * RPT, RPT)])
    pltpu.sync_copy(sharedB.at[pl.ds(s * RPT, RPT)],
                    outB.at[c, pl.ds(s * RPT, RPT)])


def _k3(h, tabs, tabd, src, dst, za, zb):
    mesh = plsc.VectorSubcoreMesh(core_axis_name="c", subcore_axis_name="s")
    f = pl.kernel(
        _k3_body,
        mesh=mesh,
        out_type=[
            jax.ShapeDtypeStruct((2, NP, F), jnp.float32),
            jax.ShapeDtypeStruct((2, NP, 16), jnp.float32),
        ],
        scratch_types=[
            pltpu.VMEM((C3,), jnp.int32),
            pltpu.VMEM((C3,), jnp.int32),
            pltpu.VMEM((C3,), jnp.int32),
            pltpu.VMEM((C3,), jnp.int32),
            pltpu.VMEM((C3, F), jnp.float32),
            pltpu.VMEM((C3, F), jnp.float32),
            pltpu.VMEM((C3, 16), jnp.float32),
            pltpu.VMEM((C3, 16), jnp.float32),
            pltpu.VMEM((C3, 16), jnp.float32),
            pltpu.VMEM((C3, 16), jnp.float32),
            pltpu.VMEM((C3, 16), jnp.float32),
            pltpu.VMEM((C3, 16), jnp.float32),
            pltpu.VMEM_SHARED((NP, F), jnp.float32),
            pltpu.VMEM_SHARED((NP, 16), jnp.float32),
            pltpu.SemaphoreType.DMA,
            pltpu.SemaphoreType.DMA,
            pltpu.SemaphoreType.DMA,
            pltpu.SemaphoreType.DMA,
            pltpu.SemaphoreType.DMA,
            pltpu.SemaphoreType.DMA,
            pltpu.SemaphoreType.DMA,
            pltpu.SemaphoreType.DMA,
        ],
        compiler_params=pltpu.CompilerParams(
            needs_layout_passes=False, use_tc_tiling_on_sc=False),
    )
    return f(h, tabs, tabd, src, dst, za, zb)


def _k4_body(xr_hbm, src_hbm, dst_hbm, za_hbm, outA,
             srcv0, srcv1, dstv0, dstv1, rows0, rows1, sharedA,
             semA0, semA1, semW0, semW1):
    c = lax.axis_index("c")
    s = lax.axis_index("s")
    wid = c * 16 + s
    pltpu.sync_copy(za_hbm.at[pl.ds(0, RPT)], sharedA.at[pl.ds(s * RPT, RPT)])
    plsc.subcore_barrier()
    base = wid * EPW
    bufs = ((srcv0, dstv0, rows0, semA0, semW0),
            (srcv1, dstv1, rows1, semA1, semW1))

    def _fetch_idx(g, b):
        sv, dv = bufs[b][0], bufs[b][1]
        off = base + g * C3
        pltpu.sync_copy(src_hbm.at[pl.ds(off, C3)], sv)
        pltpu.sync_copy(dst_hbm.at[pl.ds(off, C3)], dv)

    def _gather(b):
        sv, _, rw, sA, _ = bufs[b]
        return pltpu.make_async_copy(xr_hbm.at[sv], rw, sA)

    def _scatter_wait(b):
        _, dv, rw, _, sW = bufs[b]
        pltpu.make_async_copy(rw, sharedA.at[dv], sW).wait()

    def _process(b):
        _, dv, rw, _, sW = bufs[b]
        _gather(b).wait()
        pltpu.async_copy(rw, sharedA.at[dv], sW, add=True)

    _fetch_idx(0, 0)
    _gather(0).start()
    NCH = EPW // C3

    def _pair(i, carry):
        for b in range(2):
            g = 2 * i + b
            if b == 0:
                @pl.when(i > 0)
                def _drain():
                    _scatter_wait(1)
            else:
                _scatter_wait(0)
            _fetch_idx(g + 1, 1 - b)
            _gather(1 - b).start()
            _process(b)
        return carry

    lax.fori_loop(0, (NCH - 1) // 2, _pair, 0)
    _scatter_wait(1)
    _process(0)
    _scatter_wait(0)
    plsc.subcore_barrier()
    pltpu.sync_copy(sharedA.at[pl.ds(s * RPT, RPT)],
                    outA.at[c, pl.ds(s * RPT, RPT)])


def _k4(xr, src, dst, za):
    mesh = plsc.VectorSubcoreMesh(core_axis_name="c", subcore_axis_name="s")
    f = pl.kernel(
        _k4_body,
        mesh=mesh,
        out_type=jax.ShapeDtypeStruct((2, NP, F), jnp.float32),
        scratch_types=[
            pltpu.VMEM((C3,), jnp.int32),
            pltpu.VMEM((C3,), jnp.int32),
            pltpu.VMEM((C3,), jnp.int32),
            pltpu.VMEM((C3,), jnp.int32),
            pltpu.VMEM((C3, F), jnp.float32),
            pltpu.VMEM((C3, F), jnp.float32),
            pltpu.VMEM_SHARED((NP, F), jnp.float32),
            pltpu.SemaphoreType.DMA,
            pltpu.SemaphoreType.DMA,
            pltpu.SemaphoreType.DMA,
            pltpu.SemaphoreType.DMA,
        ],
        compiler_params=pltpu.CompilerParams(
            needs_layout_passes=False, use_tc_tiling_on_sc=False),
    )
    return f(xr, src, dst, za)


def _k5a_body(pa_ref, pb_ref, asd_ref, h_ref, bg_ref, xr_ref):
    h = h_ref[...]
    B = h.shape[0]
    den0 = pb_ref[0][:, 0:1] + pb_ref[1][:, 0:1]
    den1 = pb_ref[0][:, 8:9] + pb_ref[1][:, 8:9]
    a_s = asd_ref[:, 0:2]
    a_d = asd_ref[:, 2:4]
    es = a_s + a_d
    es = jnp.where(es > 0, es, es * 0.2)
    exs = jnp.exp(es)
    ii = lax.broadcasted_iota(jnp.int32, (B, F), 1)
    exb = jnp.where(ii < HID, exs[:, 0:1], exs[:, 1:2])
    acc = pa_ref[0] + pa_ref[1] + h * exb
    den = jnp.where(ii < HID, den0 + exs[:, 0:1], den1 + exs[:, 1:2])
    out = acc / den + bg_ref[...]
    xr_ref[...] = jnp.maximum(out, 0.0)


def _k5a(pa, pb, asd, h, bg):
    B = 400
    return pl.pallas_call(
        _k5a_body,
        grid=(N // B,),
        in_specs=[
            pl.BlockSpec((2, B, F), lambda i: (0, i, 0)),
            pl.BlockSpec((2, B, 16), lambda i: (0, i, 0)),
            pl.BlockSpec((B, 8), lambda i: (i, 0)),
            pl.BlockSpec((B, F), lambda i: (i, 0)),
            pl.BlockSpec((1, F), lambda i: (0, 0)),
        ],
        out_specs=pl.BlockSpec((B, F), lambda i: (i, 0)),
        out_shape=jax.ShapeDtypeStruct((N, F), jnp.float32),
    )(pa, pb, asd, h, bg)


def _k5c_body(pa_ref, xr_ref, wrel_ref, wroot_ref, bs_ref, sc_ref):
    agg = pa_ref[0] + pa_ref[1]
    sc_ref[...] = (jnp.dot(agg, wrel_ref[...],
                           preferred_element_type=jnp.float32)
                   + jnp.dot(xr_ref[...], wroot_ref[...],
                             preferred_element_type=jnp.float32)
                   + bs_ref[0, 0])


def _k5c(pa4, xr, W_rel, W_root, bs):
    B = 400
    return pl.pallas_call(
        _k5c_body,
        grid=(N // B,),
        in_specs=[
            pl.BlockSpec((2, B, F), lambda i: (0, i, 0)),
            pl.BlockSpec((B, F), lambda i: (i, 0)),
            pl.BlockSpec((F, 1), lambda i: (0, 0)),
            pl.BlockSpec((F, 1), lambda i: (0, 0)),
            pl.BlockSpec((1, 1), lambda i: (0, 0)),
        ],
        out_specs=pl.BlockSpec((B, 1), lambda i: (i, 0)),
        out_shape=jax.ShapeDtypeStruct((N, 1), jnp.float32),
    )(pa4, xr, W_rel, W_root, bs)


def _k5b_body(xr_ref, sc_ref, wl_ref, bl_ref, logits_ref, pd_ref):
    score = sc_ref[...]
    t = jnp.tanh(score)
    xr = xr_ref[...]
    pooled = jnp.sum(xr * t, axis=0, keepdims=True) * (1.0 / N)
    wl = wl_ref[...]
    l0 = jnp.sum(pooled * wl[0:1, :], axis=1, keepdims=True)
    l1 = jnp.sum(pooled * wl[1:2, :], axis=1, keepdims=True)
    logits_ref[...] = jnp.concatenate([l0, l1], axis=1) + bl_ref[...]
    m = jnp.max(score, axis=0, keepdims=True)
    ee = jnp.exp(score - m)
    pd_ref[...] = ee / jnp.sum(ee, axis=0, keepdims=True)


def _k5b(xr, score, wlT, bl):
    return pl.pallas_call(
        _k5b_body,
        grid=(1,),
        in_specs=[
            pl.BlockSpec((N, F), lambda i: (0, 0)),
            pl.BlockSpec((N, 1), lambda i: (0, 0)),
            pl.BlockSpec((2, F), lambda i: (0, 0)),
            pl.BlockSpec((1, 2), lambda i: (0, 0)),
        ],
        out_specs=[
            pl.BlockSpec((1, 2), lambda i: (0, 0)),
            pl.BlockSpec((N, 1), lambda i: (0, 0)),
        ],
        out_shape=[
            jax.ShapeDtypeStruct((1, 2), jnp.float32),
            jax.ShapeDtypeStruct((N, 1), jnp.float32),
        ],
    )(xr, score, wlT, bl)


def kernel(x, edge_index, batch, W_gat, att_src, att_dst, b_gat,
           W_rel, W_root, b_score, W_lin, b_lin):
    z64 = jnp.zeros((64,), jnp.float32)
    attT = jnp.stack([
        jnp.concatenate([att_src[0], z64]),
        jnp.concatenate([z64, att_src[1]]),
        jnp.concatenate([att_dst[0], z64]),
        jnp.concatenate([z64, att_dst[1]]),
    ])
    za = jnp.zeros((ZR, F), jnp.float32)
    zb = jnp.zeros((ZR, 16), jnp.float32)

    src = edge_index[0]
    dst = edge_index[1]

    h, asd = _k1(x, W_gat, attT)
    tabs = jnp.pad(asd[:, 0:2], ((0, 0), (0, 14)))
    tabd = jnp.pad(asd[:, 2:4], ((0, 0), (0, 14)))
    pa, pb = _k3(h, tabs, tabd, src, dst, za, zb)
    xr = _k5a(pa, pb, asd, h, b_gat.reshape(1, F))
    pa4 = _k4(xr, src, dst, za)
    score = _k5c(pa4, xr, W_rel, W_root, b_score.reshape(1, 1))
    logits, pd = _k5b(xr, score, W_lin.T, b_lin.reshape(1, 2))
    return (logits, pd.reshape(N))

# --- scband reference (transcript-rebuilt; emitter-appended) ---
"""Pipeline reference for scband-gat-17068200034947 (READ-ONLY COPY).

The authoritative reference and input builder live on the scoring server;
editing this copy changes nothing except your own understanding.
"""

import jax, jax.numpy as jnp
import numpy as np

N_NODES = 10000
N_EDGES = 320000
D_FEAT = 128
HID = 64
HEADS = 2
NUM_CLASSES = 2
POOL_K = 187215


def setup_inputs(seed: int = 0) -> dict:
    key = jax.random.key(seed)
    ks = jax.random.split(key, 12)
    x = jax.random.normal(ks[0], (N_NODES, D_FEAT), dtype=jnp.float32)
    edge_index = jax.random.randint(ks[1], (2, N_EDGES), 0, N_NODES, dtype=jnp.int32)
    batch = jnp.zeros((N_NODES,), dtype=jnp.int32)
    W_gat = 0.1 * jax.random.normal(ks[2], (D_FEAT, HEADS * HID), dtype=jnp.float32)
    att_src = 0.1 * jax.random.normal(ks[3], (HEADS, HID), dtype=jnp.float32)
    att_dst = 0.1 * jax.random.normal(ks[4], (HEADS, HID), dtype=jnp.float32)
    b_gat = jnp.zeros((HEADS * HID,), dtype=jnp.float32)
    W_rel = 0.1 * jax.random.normal(ks[5], (HEADS * HID, 1), dtype=jnp.float32)
    W_root = 0.1 * jax.random.normal(ks[6], (HEADS * HID, 1), dtype=jnp.float32)
    b_score = jnp.zeros((1,), dtype=jnp.float32)
    W_lin = 0.1 * jax.random.normal(ks[7], (HEADS * HID, NUM_CLASSES), dtype=jnp.float32)
    b_lin = jnp.zeros((NUM_CLASSES,), dtype=jnp.float32)
    return {"x": x, "edge_index": edge_index, "batch": batch, "W_gat": W_gat,
            "att_src": att_src, "att_dst": att_dst, "b_gat": b_gat,
            "W_rel": W_rel, "W_root": W_root, "b_score": b_score,
            "W_lin": W_lin, "b_lin": b_lin}


def reference(x, edge_index, batch, W_gat, att_src, att_dst, b_gat, W_rel, W_root, b_score, W_lin, b_lin):
    N = x.shape[0]
    # ---- GATConv(D_FEAT -> HID, heads=2, concat) with self-loops ----
    loop = jnp.arange(N, dtype=edge_index.dtype)
    ei = jnp.concatenate([edge_index, jnp.stack([loop, loop])], axis=1)
    src, dst = ei[0], ei[1]
    h = (x @ W_gat).reshape(N, HEADS, HID)
    a_s = (h * att_src[None, :, :]).sum(-1)  # [N, H]
    a_d = (h * att_dst[None, :, :]).sum(-1)  # [N, H]
    e = jax.nn.leaky_relu(a_s[src] + a_d[dst], 0.2)  # [E, H]
    emax = jax.ops.segment_max(e, dst, num_segments=N)
    emax = jnp.where(jnp.isfinite(emax), emax, 0.0)
    ex = jnp.exp(e - emax[dst])
    denom = jax.ops.segment_sum(ex, dst, num_segments=N)
    alpha = ex / (denom[dst] + 1e-16)
    msg = h[src] * alpha[:, :, None]
    out = jax.ops.segment_sum(msg, dst, num_segments=N).reshape(N, HEADS * HID) + b_gat
    xr = jax.nn.relu(out)
    # ---- SAGPooling: score via GraphConv(2*HID -> 1), tanh, top-k ----
    s0, d0 = edge_index[0], edge_index[1]
    agg = jax.ops.segment_sum(xr[s0], d0, num_segments=N)
    score = (agg @ W_rel + xr @ W_root + b_score).reshape(-1)  # [N]
    pre_drop_score = score
    score_t = jnp.tanh(score)
    k = POOL_K if POOL_K < N else N
    perm = jnp.argsort(-score_t)[:k]
    xp = xr[perm] * score_t[perm][:, None] * 1.0  # multiplier = 1.0
    batch_p = batch[perm]
    # ---- global_mean_pool (single graph) ----
    num_graphs = 1
    summ = jax.ops.segment_sum(xp, batch_p, num_segments=num_graphs)
    cnt = jax.ops.segment_sum(jnp.ones((xp.shape[0],), dtype=xp.dtype), batch_p, num_segments=num_graphs)
    pooled = summ / jnp.maximum(cnt, 1.0)[:, None]
    logits = pooled @ W_lin + b_lin
    pd = jax.nn.softmax(pre_drop_score, axis=0)
    return (logits, pd)

if __name__ == "__main__":
    import jax
    _d = setup_inputs()
    print(jax.jit(kernel)(*tuple(_d.values())))

</pallas_src>

<mosaic_0001>
#map = affine_map<(d0, d1) -> (0, 0)>
#map1 = affine_map<(d0, d1) -> (0)>
#map2 = affine_map<(d0, d1) -> (0, 0, 0)>
module attributes {stable_mosaic.version = 14 : i64} {
  func.func @_k3_body(%arg0: i32, %arg1: i32, %arg2: memref<10000x128xf32, #tpu.memory_space<hbm>>, %arg3: memref<10000x16xf32, #tpu.memory_space<hbm>>, %arg4: memref<10000x16xf32, #tpu.memory_space<hbm>>, %arg5: memref<320000xi32, #tpu.memory_space<hbm>>, %arg6: memref<320000xi32, #tpu.memory_space<hbm>>, %arg7: memref<640x128xf32, #tpu.memory_space<hbm>>, %arg8: memref<640x16xf32, #tpu.memory_space<hbm>>, %arg9: memref<2x10240x128xf32, #tpu.memory_space<hbm>>, %arg10: memref<2x10240x16xf32, #tpu.memory_space<hbm>>, %arg11: memref<80xi32, #tpu.memory_space<vmem>>, %arg12: memref<80xi32, #tpu.memory_space<vmem>>, %arg13: memref<80xi32, #tpu.memory_space<vmem>>, %arg14: memref<80xi32, #tpu.memory_space<vmem>>, %arg15: memref<80x128xf32, #tpu.memory_space<vmem>>, %arg16: memref<80x128xf32, #tpu.memory_space<vmem>>, %arg17: memref<80x16xf32, #tpu.memory_space<vmem>>, %arg18: memref<80x16xf32, #tpu.memory_space<vmem>>, %arg19: memref<80x16xf32, #tpu.memory_space<vmem>>, %arg20: memref<80x16xf32, #tpu.memory_space<vmem>>, %arg21: memref<80x16xf32, #tpu.memory_space<vmem>>, %arg22: memref<80x16xf32, #tpu.memory_space<vmem>>, %arg23: memref<10240x128xf32, #tpu.memory_space<vmem_shared>>, %arg24: memref<10240x16xf32, #tpu.memory_space<vmem_shared>>, %arg25: memref<!tpu.dma_semaphore, #tpu.memory_space<semaphore_mem>>, %arg26: memref<!tpu.dma_semaphore, #tpu.memory_space<semaphore_mem>>, %arg27: memref<!tpu.dma_semaphore, #tpu.memory_space<semaphore_mem>>, %arg28: memref<!tpu.dma_semaphore, #tpu.memory_space<semaphore_mem>>, %arg29: memref<!tpu.dma_semaphore, #tpu.memory_space<semaphore_mem>>, %arg30: memref<!tpu.dma_semaphore, #tpu.memory_space<semaphore_mem>>, %arg31: memref<!tpu.dma_semaphore, #tpu.memory_space<semaphore_mem>>, %arg32: memref<!tpu.dma_semaphore, #tpu.memory_space<semaphore_mem>>) attributes {dimension_semantics = [#tpu.dimension_semantics<core_parallel>, #tpu.dimension_semantics<subcore_parallel>], iteration_bounds = array<i64: 2, 16>, scalar_prefetch = 0 : i64, scratch_operands = 22 : i64, tpu.core_type = #tpu.core_type<sc_vector_subcore>, window_params = [{transform_indices = #map}, {transform_indices = #map}, {transform_indices = #map}, {transform_indices = #map1}, {transform_indices = #map1}, {transform_indices = #map}, {transform_indices = #map}, {transform_indices = #map2}, {transform_indices = #map2}]} {
    %mul3A = arith.constant 16 : i32
    %mul3A_0 = arith.muli %arg0, %mul3A : i32
    %add3A = arith.addi %mul3A_0, %arg1 : i32
    %mul3A_1 = arith.constant 640 : i32
    %mul3A_2 = arith.muli %arg1, %mul3A_1 : i32
    "tpu.region"() ({
      %run_scoped3A = tpu.sem_alloc : memref<!tpu.dma_semaphore, #tpu.memory_space<semaphore_mem>>
      %dma_start3A_63 = arith.constant 0 : i32
      %dma_start3A_64 = tpu.memref_slice %arg23[%mul3A_2, %dma_start3A_63] : memref<10240x128xf32, #tpu.memory_space<vmem_shared>> -> memref<640x128xf32, #tpu.memory_space<vmem_shared>>
      %dma_start3A_65 = arith.constant 0 : i32
      %dma_start3A_66 = arith.constant 0 : i32
      %dma_start3A_67 = tpu.memref_slice %arg7[%dma_start3A_65, %dma_start3A_66] : memref<640x128xf32, #tpu.memory_space<hbm>> -> memref<640x128xf32, #tpu.memory_space<hbm>>
      tpu.enqueue_dma source(%dma_start3A_67 : memref<640x128xf32, #tpu.memory_space<hbm>>) target(%dma_start3A_64 : memref<640x128xf32, #tpu.memory_space<vmem_shared>>) target_semaphore(%run_scoped3A : memref<!tpu.dma_semaphore, #tpu.memory_space<semaphore_mem>>)
      %dma_wait3A_68 = arith.constant 0 : i32
      %dma_wait3A_69 = tpu.memref_slice %arg23[%mul3A_2, %dma_wait3A_68] : memref<10240x128xf32, #tpu.memory_space<vmem_shared>> -> memref<640x128xf32, #tpu.memory_space<vmem_shared>>
      %dma_wait3A_70 = arith.constant 0 : i32
      %dma_wait3A_71 = arith.constant 0 : i32
      %dma_wait3A_72 = tpu.memref_slice %arg7[%dma_wait3A_70, %dma_wait3A_71] : memref<640x128xf32, #tpu.memory_space<hbm>> -> memref<640x128xf32, #tpu.memory_space<hbm>>
      tpu.wait_dma2 semaphore(%run_scoped3A : memref<!tpu.dma_semaphore, #tpu.memory_space<semaphore_mem>>) src(%dma_wait3A_72 : memref<640x128xf32, #tpu.memory_space<hbm>>) dst(%dma_wait3A_69 : memref<640x128xf32, #tpu.memory_space<vmem_shared>>)
      tpu.yield
    }) : () -> ()
    %mul3A_3 = arith.constant 640 : i32
    %mul3A_4 = arith.muli %arg1, %mul3A_3 : i32
    "tpu.region"() ({
      %run_scoped3A = tpu.sem_alloc : memref<!tpu.dma_semaphore, #tpu.memory_space<semaphore_mem>>
      %dma_start3A_63 = arith.constant 0 : i32
      %dma_start3A_64 = tpu.memref_slice %arg24[%mul3A_4, %dma_start3A_63] : memref<10240x16xf32, #tpu.memory_space<vmem_shared>> -> memref<640x16xf32, #tpu.memory_space<vmem_shared>>
      %dma_start3A_65 = arith.constant 0 : i32
      %dma_start3A_66 = arith.constant 0 : i32
      %dma_start3A_67 = tpu.memref_slice %arg8[%dma_start3A_65, %dma_start3A_66] : memref<640x16xf32, #tpu.memory_space<hbm>> -> memref<640x16xf32, #tpu.memory_space<hbm>>
      tpu.enqueue_dma source(%dma_start3A_67 : memref<640x16xf32, #tpu.memory_space<hbm>>) target(%dma_start3A_64 : memref<640x16xf32, #tpu.memory_space<vmem_shared>>) target_semaphore(%run_scoped3A : memref<!tpu.dma_semaphore, #tpu.memory_space<semaphore_mem>>)
      %dma_wait3A_68 = arith.constant 0 : i32
      %dma_wait3A_69 = tpu.memref_slice %arg24[%mul3A_4, %dma_wait3A_68] : memref<10240x16xf32, #tpu.memory_space<vmem_shared>> -> memref<640x16xf32, #tpu.memory_space<vmem_shared>>
      %dma_wait3A_70 = arith.constant 0 : i32
      %dma_wait3A_71 = arith.constant 0 : i32
      %dma_wait3A_72 = tpu.memref_slice %arg8[%dma_wait3A_70, %dma_wait3A_71] : memref<640x16xf32, #tpu.memory_space<hbm>> -> memref<640x16xf32, #tpu.memory_space<hbm>>
      tpu.wait_dma2 semaphore(%run_scoped3A : memref<!tpu.dma_semaphore, #tpu.memory_space<semaphore_mem>>) src(%dma_wait3A_72 : memref<640x16xf32, #tpu.memory_space<hbm>>) dst(%dma_wait3A_69 : memref<640x16xf32, #tpu.memory_space<vmem_shared>>)
      tpu.yield
    }) : () -> ()
    %barrier3A = arith.constant 0 : index
    tpu.barrier barrier_id(%barrier3A)
    %iota3A = tpu.iota {dimensions = array<i32: 0>} : vector<16xi32>
    %mul3A_5 = arith.constant 10000 : i32
    %mul3A_6 = arith.muli %add3A, %mul3A_5 : i32
    %add3A_7 = arith.constant 0 : i32
    %add3A_8 = arith.addi %mul3A_6, %add3A_7 : i32
    "tpu.region"() ({
      %run_scoped3A = tpu.sem_alloc : memref<!tpu.dma_semaphore, #tpu.memory_space<semaphore_mem>>
      %dma_start3A_63 = tpu.memref_slice %arg5[%add3A_8] : memref<320000xi32, #tpu.memory_space<hbm>> -> memref<80xi32, #tpu.memory_space<hbm>>
      %dma_start3A_64 = tpu.memref_slice %arg5[%add3A_8] : memref<320000xi32, #tpu.memory_space<hbm>> -> memref<80xi32, #tpu.memory_space<hbm>>
      tpu.enqueue_dma source(%dma_start3A_64 : memref<80xi32, #tpu.memory_space<hbm>>) target(%arg11 : memref<80xi32, #tpu.memory_space<vmem>>) target_semaphore(%run_scoped3A : memref<!tpu.dma_semaphore, #tpu.memory_space<semaphore_mem>>)
      %dma_wait3A_65 = tpu.memref_slice %arg5[%add3A_8] : memref<320000xi32, #tpu.memory_space<hbm>> -> memref<80xi32, #tpu.memory_space<hbm>>
      %dma_wait3A_66 = tpu.memref_slice %arg5[%add3A_8] : memref<320000xi32, #tpu.memory_space<hbm>> -> memref<80xi32, #tpu.memory_space<hbm>>
      tpu.wait_dma2 semaphore(%run_scoped3A : memref<!tpu.dma_semaphore, #tpu.memory_space<semaphore_mem>>) src(%dma_wait3A_66 : memref<80xi32, #tpu.memory_space<hbm>>) dst(%arg11 : memref<80xi32, #tpu.memory_space<vmem>>)
      tpu.yield
    }) : () -> ()
    "tpu.region"() ({
      %run_scoped3A = tpu.sem_alloc : memref<!tpu.dma_semaphore, #tpu.memory_space<semaphore_mem>>
      %dma_start3A_63 = tpu.memref_slice %arg6[%add3A_8] : memref<320000xi32, #tpu.memory_space<hbm>> -> memref<80xi32, #tpu.memory_space<hbm>>
      %dma_start3A_64 = tpu.memref_slice %arg6[%add3A_8] : memref<320000xi32, #tpu.memory_space<hbm>> -> memref<80xi32, #tpu.memory_space<hbm>>
      tpu.enqueue_dma source(%dma_start3A_64 : memref<80xi32, #tpu.memory_space<hbm>>) target(%arg13 : memref<80xi32, #tpu.memory_space<vmem>>) target_semaphore(%run_scoped3A : memref<!tpu.dma_semaphore, #tpu.memory_space<semaphore_mem>>)
      %dma_wait3A_65 = tpu.memref_slice %arg6[%add3A_8] : memref<320000xi32, #tpu.memory_space<hbm>> -> memref<80xi32, #tpu.memory_space<hbm>>
      %dma_wait3A_66 = tpu.memref_slice %arg6[%add3A_8] : memref<320000xi32, #tpu.memory_space<hbm>> -> memref<80xi32, #tpu.memory_space<hbm>>
      tpu.wait_dma2 semaphore(%run_scoped3A : memref<!tpu.dma_semaphore, #tpu.memory_space<semaphore_mem>>) src(%dma_wait3A_66 : memref<80xi32, #tpu.memory_space<hbm>>) dst(%arg13 : memref<80xi32, #tpu.memory_space<vmem>>)
      tpu.yield
    }) : () -> ()
    %dma_start3A = arith.constant 0 : i32
    %dma_start3A_9 = arith.constant 0 : i32
    %dma_start3A_10 = tpu.memref_slice %arg2[%dma_start3A, %dma_start3A_9] : memref<10000x128xf32, #tpu.memory_space<hbm>> -> memref<10000x128xf32, #tpu.memory_space<hbm>>
    tpu.enqueue_indirect_dma source(%dma_start3A_10 : memref<10000x128xf32, #tpu.memory_space<hbm>>) target(%arg15 : memref<80x128xf32, #tpu.memory_space<vmem>>) offsets(%arg11 : memref<80xi32, #tpu.memory_space<vmem>>) semaphore(%arg25 : memref<!tpu.dma_semaphore, #tpu.memory_space<semaphore_mem>>)
    %dma_start3A_11 = arith.constant 0 : i32
    %dma_start3A_12 = arith.constant 0 : i32
    %dma_start3A_13 = tpu.memref_slice %arg3[%dma_start3A_11, %dma_start3A_12] : memref<10000x16xf32, #tpu.memory_space<hbm>> -> memref<10000x16xf32, #tpu.memory_space<hbm>>
    tpu.enqueue_indirect_dma source(%dma_start3A_13 : memref<10000x16xf32, #tpu.memory_space<hbm>>) target(%arg19 : memref<80x16xf32, #tpu.memory_space<vmem>>) offsets(%arg11 : memref<80xi32, #tpu.memory_space<vmem>>) semaphore(%arg27 : memref<!tpu.dma_semaphore, #tpu.memory_space<semaphore_mem>>)
    %dma_start3A_14 = arith.constant 0 : i32
    %dma_start3A_15 = arith.constant 0 : i32
    %dma_start3A_16 = tpu.memref_slice %arg4[%dma_start3A_14, %dma_start3A_15] : memref<10000x16xf32, #tpu.memory_space<hbm>> -> memref<10000x16xf32, #tpu.memory_space<hbm>>
    tpu.enqueue_indirect_dma source(%dma_start3A_16 : memref<10000x16xf32, #tpu.memory_space<hbm>>) target(%arg21 : memref<80x16xf32, #tpu.memory_space<vmem>>) offsets(%arg13 : memref<80xi32, #tpu.memory_space<vmem>>) semaphore(%arg29 : memref<!tpu.dma_semaphore, #tpu.memory_space<semaphore_mem>>)
    %scan3A = arith.constant 0 : i32
    %scan3A_17 = arith.constant 0 : i32
    %scan3A_18 = arith.constant 62 : i32
    %scan3A_19 = arith.addi %scan3A_17, %scan3A_18 : i32
    %scan3A_20 = arith.constant 1 : i32
    scf.for %scan3A_63 = %scan3A_17 to %scan3A_19 step %scan3A_20  : i32 {
      %mul3A_64 = arith.constant 2 : i32
      %mul3A_65 = arith.muli %mul3A_64, %scan3A_63 : i32
      %add3A_66 = arith.constant 0 : i32
      %add3A_67 = arith.addi %mul3A_65, %add3A_66 : i32
      %gt3A = arith.constant 0 : i32
      %gt3A_68 = arith.cmpi sgt, %scan3A_63, %gt3A : i32
      %convert_element_type3A = arith.extui %gt3A_68 : i1 to i32
      %cond3A = arith.constant 0 : i32
      %cond3A_69 = arith.cmpi ne, %convert_element_type3A, %cond3A : i32
      scf.if %cond3A_69 {
        %dma_wait3A_150 = arith.constant 0 : i32
        %dma_wait3A_151 = arith.constant 0 : i32
        %dma_wait3A_152 = tpu.memref_slice %arg23[%dma_wait3A_150, %dma_wait3A_151] : memref<10240x128xf32, #tpu.memory_space<vmem_shared>> -> memref<10240x128xf32, #tpu.memory_space<vmem_shared>>
        tpu.wait_indirect_dma semaphore(%arg32 : memref<!tpu.dma_semaphore, #tpu.memory_space<semaphore_mem>>) src(%arg16 : memref<80x128xf32, #tpu.memory_space<vmem>>) dst(%dma_wait3A_152 : memref<10240x128xf32, #tpu.memory_space<vmem_shared>>)
        %dma_wait3A_153 = arith.constant 0 : i32
        %dma_wait3A_154 = arith.constant 0 : i32
        %dma_wait3A_155 = tpu.memref_slice %arg24[%dma_wait3A_153, %dma_wait3A_154] : memref<10240x16xf32, #tpu.memory_space<vmem_shared>> -> memref<10240x16xf32, #tpu.memory_space<vmem_shared>>
        tpu.wait_indirect_dma semaphore(%arg32 : memref<!tpu.dma_semaphore, #tpu.memory_space<semaphore_mem>>) src(%arg18 : memref<80x16xf32, #tpu.memory_space<vmem>>) dst(%dma_wait3A_155 : memref<10240x16xf32, #tpu.memory_space<vmem_shared>>)
      } else {
      }
      %add3A_70 = arith.constant 1 : i32
      %add3A_71 = arith.addi %add3A_67, %add3A_70 : i32
      %mul3A_72 = arith.constant 80 : i32
      %mul3A_73 = arith.muli %add3A_71, %mul3A_72 : i32
      %add3A_74 = arith.addi %mul3A_6, %mul3A_73 : i32
      "tpu.region"() ({
        %run_scoped3A = tpu.sem_alloc : memref<!tpu.dma_semaphore, #tpu.memory_space<semaphore_mem>>
        %dma_start3A_150 = tpu.memref_slice %arg5[%add3A_74] : memref<320000xi32, #tpu.memory_space<hbm>> -> memref<80xi32, #tpu.memory_space<hbm>>
        %dma_start3A_151 = tpu.memref_slice %arg5[%add3A_74] : memref<320000xi32, #tpu.memory_space<hbm>> -> memref<80xi32, #tpu.memory_space<hbm>>
        tpu.enqueue_dma source(%dma_start3A_151 : memref<80xi32, #tpu.memory_space<hbm>>) target(%arg12 : memref<80xi32, #tpu.memory_space<vmem>>) target_semaphore(%run_scoped3A : memref<!tpu.dma_semaphore, #tpu.memory_space<semaphore_mem>>)
        %dma_wait3A_152 = tpu.memref_slice %arg5[%add3A_74] : memref<320000xi32, #tpu.memory_space<hbm>> -> memref<80xi32, #tpu.memory_space<hbm>>
        %dma_wait3A_153 = tpu.memref_slice %arg5[%add3A_74] : memref<320000xi32, #tpu.memory_space<hbm>> -> memref<80xi32, #tpu.memory_space<hbm>>
        tpu.wait_dma2 semaphore(%run_scoped3A : memref<!tpu.dma_semaphore, #tpu.memory_space<semaphore_mem>>) src(%dma_wait3A_153 : memref<80xi32, #tpu.memory_space<hbm>>) dst(%arg12 : memref<80xi32, #tpu.memory_space<vmem>>)
        tpu.yield
      }) : () -> ()
      "tpu.region"() ({
        %run_scoped3A = tpu.sem_alloc : memref<!tpu.dma_semaphore, #tpu.memory_space<semaphore_mem>>
        %dma_start3A_150 = tpu.memref_slice %arg6[%add3A_74] : memref<320000xi32, #tpu.memory_space<hbm>> -> memref<80xi32, #tpu.memory_space<hbm>>
        %dma_start3A_151 = tpu.memref_slice %arg6[%add3A_74] : memref<320000xi32, #tpu.memory_space<hbm>> -> memref<80xi32, #tpu.memory_space<hbm>>
        tpu.enqueue_dma source(%dma_start3A_151 : memref<80xi32, #tpu.memory_space<hbm>>) target(%arg14 : memref<80xi32, #tpu.memory_space<vmem>>) target_semaphore(%run_scoped3A : memref<!tpu.dma_semaphore, #tpu.memory_space<semaphore_mem>>)
        %dma_wait3A_152 = tpu.memref_slice %arg6[%add3A_74] : memref<320000xi32, #tpu.memory_space<hbm>> -> memref<80xi32, #tpu.memory_space<hbm>>
        %dma_wait3A_153 = tpu.memref_slice %arg6[%add3A_74] : memref<320000xi32, #tpu.memory_space<hbm>> -> memref<80xi32, #tpu.memory_space<hbm>>
        tpu.wait_dma2 semaphore(%run_scoped3A : memref<!tpu.dma_semaphore, #tpu.memory_space<semaphore_mem>>) src(%dma_wait3A_153 : memref<80xi32, #tpu.memory_space<hbm>>) dst(%arg14 : memref<80xi32, #tpu.memory_space<vmem>>)
        tpu.yield
      }) : () -> ()
      %dma_start3A_75 = arith.constant 0 : i32
      %dma_start3A_76 = arith.constant 0 : i32
      %dma_start3A_77 = tpu.memref_slice %arg2[%dma_start3A_75, %dma_start3A_76] : memref<10000x128xf32, #tpu.memory_space<hbm>> -> memref<10000x128xf32, #tpu.memory_space<hbm>>
      tpu.enqueue_indirect_dma source(%dma_start3A_77 : memref<10000x128xf32, #tpu.memory_space<hbm>>) target(%arg16 : memref<80x128xf32, #tpu.memory_space<vmem>>) offsets(%arg12 : memref<80xi32, #tpu.memory_space<vmem>>) semaphore(%arg26 : memref<!tpu.dma_semaphore, #tpu.memory_space<semaphore_mem>>)
      %dma_start3A_78 = arith.constant 0 : i32
      %dma_start3A_79 = arith.constant 0 : i32
      %dma_start3A_80 = tpu.memref_slice %arg3[%dma_start3A_78, %dma_start3A_79] : memref<10000x16xf32, #tpu.memory_space<hbm>> -> memref<10000x16xf32, #tpu.memory_space<hbm>>
      tpu.enqueue_indirect_dma source(%dma_start3A_80 : memref<10000x16xf32, #tpu.memory_space<hbm>>) target(%arg20 : memref<80x16xf32, #tpu.memory_space<vmem>>) offsets(%arg12 : memref<80xi32, #tpu.memory_space<vmem>>) semaphore(%arg28 : memref<!tpu.dma_semaphore, #tpu.memory_space<semaphore_mem>>)
      %dma_start3A_81 = arith.constant 0 : i32
      %dma_start3A_82 = arith.constant 0 : i32
      %dma_start3A_83 = tpu.memref_slice %arg4[%dma_start3A_81, %dma_start3A_82] : memref<10000x16xf32, #tpu.memory_space<hbm>> -> memref<10000x16xf32, #tpu.memory_space<hbm>>
      tpu.enqueue_indirect_dma source(%dma_start3A_83 : memref<10000x16xf32, #tpu.memory_space<hbm>>) target(%arg22 : memref<80x16xf32, #tpu.memory_space<vmem>>) offsets(%arg14 : memref<80xi32, #tpu.memory_space<vmem>>) semaphore(%arg30 : memref<!tpu.dma_semaphore, #tpu.memory_space<semaphore_mem>>)
      %dma_wait3A_84 = arith.constant 0 : i32
      %dma_wait3A_85 = arith.constant 0 : i32
      %dma_wait3A_86 = tpu.memref_slice %arg2[%dma_wait3A_84, %dma_wait3A_85] : memref<10000x128xf32, #tpu.memory_space<hbm>> -> memref<10000x128xf32, #tpu.memory_space<hbm>>
      tpu.wait_indirect_dma semaphore(%arg25 : memref<!tpu.dma_semaphore, #tpu.memory_space<semaphore_mem>>) src(%dma_wait3A_86 : memref<10000x128xf32, #tpu.memory_space<hbm>>) dst(%arg15 : memref<80x128xf32, #tpu.memory_space<vmem>>)
      %dma_wait3A_87 = arith.constant 0 : i32
      %dma_wait3A_88 = arith.constant 0 : i32
      %dma_wait3A_89 = tpu.memref_slice %arg3[%dma_wait3A_87, %dma_wait3A_88] : memref<10000x16xf32, #tpu.memory_space<hbm>> -> memref<10000x16xf32, #tpu.memory_space<hbm>>
      tpu.wait_indirect_dma semaphore(%arg27 : memref<!tpu.dma_semaphore, #tpu.memory_space<semaphore_mem>>) src(%dma_wait3A_89 : memref<10000x16xf32, #tpu.memory_space<hbm>>) dst(%arg19 : memref<80x16xf32, #tpu.memory_space<vmem>>)
      %dma_wait3A_90 = arith.constant 0 : i32
      %dma_wait3A_91 = arith.constant 0 : i32
      %dma_wait3A_92 = tpu.memref_slice %arg4[%dma_wait3A_90, %dma_wait3A_91] : memref<10000x16xf32, #tpu.memory_space<hbm>> -> memref<10000x16xf32, #tpu.memory_space<hbm>>
      tpu.wait_indirect_dma semaphore(%arg29 : memref<!tpu.dma_semaphore, #tpu.memory_space<semaphore_mem>>) src(%dma_wait3A_92 : memref<10000x16xf32, #tpu.memory_space<hbm>>) dst(%arg21 : memref<80x16xf32, #tpu.memory_space<vmem>>)
      %scan3A_93 = arith.constant 0 : i32
      %scan3A_94 = arith.constant 0 : i32
      %scan3A_95 = arith.constant 80 : i32
      %scan3A_96 = arith.addi %scan3A_94, %scan3A_95 : i32
      %scan3A_97 = arith.constant 1 : i32
      scf.for %scan3A_150 = %scan3A_94 to %scan3A_96 step %scan3A_97  : i32 {
        %get3A = arith.index_cast %scan3A_150 : i32 to index
        %get3A_151 = arith.constant 0 : index
        %get3A_152 = tpu.vector_load %arg19[%get3A, %get3A_151] {strides = array<i32>} : memref<80x16xf32, #tpu.memory_space<vmem>>, vector<16xf32>,
        %get3A_153 = arith.index_cast %scan3A_150 : i32 to index
        %get3A_154 = arith.constant 0 : index
        %get3A_155 = tpu.vector_load %arg21[%get3A_153, %get3A_154] {strides = array<i32>} : memref<80x16xf32, #tpu.memory_space<vmem>>, vector<16xf32>,
        %add3A_156 = arith.addf %get3A_152, %get3A_155 : vector<16xf32>
        %gt3A_157 = arith.constant 0.000000e+00 : f32
        %gt3A_158 = vector.broadcast %gt3A_157 : f32 to vector<16xf32>
        %gt3A_159 = arith.cmpf ogt, %add3A_156, %gt3A_158 : vector<16xf32>
        %mul3A_160 = arith.constant 2.000000e-01 : f32
        %mul3A_161 = vector.broadcast %mul3A_160 : f32 to vector<16xf32>
        %mul3A_162 = arith.mulf %add3A_156, %mul3A_161 : vector<16xf32>
        %select_n3A = arith.select %gt3A_159, %add3A_156, %mul3A_162 : vector<16xi1>, vector<16xf32>
        %exp3A = math.exp %select_n3A : vector<16xf32>
        %slice3A = vector.extract_strided_slice %exp3A {offsets = [0], sizes = [1], strides = [1]} : vector<16xf32> to vector<1xf32>
        %squeeze3A = vector.extract %slice3A[0] : f32 from vector<1xf32>
        %broadcast_in_dim3A = vector.broadcast %squeeze3A : f32 to vector<16xf32>
        %slice3A_163 = vector.extract_strided_slice %exp3A {offsets = [1], sizes = [1], strides = [1]} : vector<16xf32> to vector<1xf32>
        %squeeze3A_164 = vector.extract %slice3A_163[0] : f32 from vector<1xf32>
        %broadcast_in_dim3A_165 = vector.broadcast %squeeze3A_164 : f32 to vector<16xf32>
        %lt3A = arith.constant 8 : i32
        %lt3A_166 = vector.broadcast %lt3A : i32 to vector<16xi32>
        %lt3A_167 = arith.cmpi slt, %iota3A, %lt3A_166 : vector<16xi32>
        %select_n3A_168 = arith.select %lt3A_167, %broadcast_in_dim3A, %broadcast_in_dim3A_165 : vector<16xi1>, vector<16xf32>
        %swap3A = arith.index_cast %scan3A_150 : i32 to index
        %swap3A_169 = arith.constant 0 : index
        %swap3A_170 = tpu.vector_load %arg17[%swap3A, %swap3A_169] {strides = array<i32>} : memref<80x16xf32, #tpu.memory_space<vmem>>, vector<16xf32>,
        tpu.vector_store %arg17[%swap3A, %swap3A_169], %select_n3A_168 {strides = array<i32>} : memref<80x16xf32, #tpu.memory_space<vmem>>, vector<16xf32>,
        %get3A_171 = arith.index_cast %scan3A_150 : i32 to index
        %get3A_172 = arith.constant 0 : index
        %get3A_173 = tpu.vector_load %arg15[%get3A_171, %get3A_172] {strides = array<i32>} : memref<80x128xf32, #tpu.memory_space<vmem>>, vector<16xf32>,
        %mul3A_174 = arith.mulf %get3A_173, %broadcast_in_dim3A : vector<16xf32>
        %swap3A_175 = arith.index_cast %scan3A_150 : i32 to index
        %swap3A_176 = arith.constant 0 : index
        %swap3A_177 = tpu.vector_load %arg15[%swap3A_175, %swap3A_176] {strides = array<i32>} : memref<80x128xf32, #tpu.memory_space<vmem>>, vector<16xf32>,
        tpu.vector_store %arg15[%swap3A_175, %swap3A_176], %mul3A_174 {strides = array<i32>} : memref<80x128xf32, #tpu.memory_space<vmem>>, vector<16xf32>,
        %get3A_178 = arith.index_cast %scan3A_150 : i32 to index
        %get3A_179 = arith.constant 16 : index
        %get3A_180 = tpu.vector_load %arg15[%get3A_178, %get3A_179] {strides = array<i32>} : memref<80x128xf32, #tpu.memory_space<vmem>>, vector<16xf32>,
        %mul3A_181 = arith.mulf %get3A_180, %broadcast_in_dim3A : vector<16xf32>
        %swap3A_182 = arith.index_cast %scan3A_150 : i32 to index
        %swap3A_183 = arith.constant 16 : index
        %swap3A_184 = tpu.vector_load %arg15[%swap3A_182, %swap3A_183] {strides = array<i32>} : memref<80x128xf32, #tpu.memory_space<vmem>>, vector<16xf32>,
        tpu.vector_store %arg15[%swap3A_182, %swap3A_183], %mul3A_181 {strides = array<i32>} : memref<80x128xf32, #tpu.memory_space<vmem>>, vector<16xf32>,
        %get3A_185 = arith.index_cast %scan3A_150 : i32 to index
        %get3A_186 = arith.constant 32 : index
        %get3A_187 = tpu.vector_load %arg15[%get3A_185, %get3A_186] {strides = array<i32>} : memref<80x128xf32, #tpu.memory_space<vmem>>, vector<16xf32>,
        %mul3A_188 = arith.mulf %get3A_187, %broadcast_in_dim3A : vector<16xf32>
        %swap3A_189 = arith.index_cast %scan3A_150 : i32 to index
        %swap3A_190 = arith.constant 32 : index
        %swap3A_191 = tpu.vector_load %arg15[%swap3A_189, %swap3A_190] {strides = array<i32>} : memref<80x128xf32, #tpu.memory_space<vmem>>, vector<16xf32>,
        tpu.vector_store %arg15[%swap3A_189, %swap3A_190], %mul3A_188 {strides = array<i32>} : memref<80x128xf32, #tpu.memory_space<vmem>>, vector<16xf32>,
        %get3A_192 = arith.index_cast %scan3A_150 : i32 to index
        %get3A_193 = arith.constant 48 : index
        %get3A_194 = tpu.vector_load %arg15[%get3A_192, %get3A_193] {strides = array<i32>} : memref<80x128xf32, #tpu.memory_space<vmem>>, vector<16xf32>,
        %mul3A_195 = arith.mulf %get3A_194, %broadcast_in_dim3A : vector<16xf32>
        %swap3A_196 = arith.index_cast %scan3A_150 : i32 to index
        %swap3A_197 = arith.constant 48 : index
        %swap3A_198 = tpu.vector_load %arg15[%swap3A_196, %swap3A_197] {strides = array<i32>} : memref<80x128xf32, #tpu.memory_space<vmem>>, vector<16xf32>,
        tpu.vector_store %arg15[%swap3A_196, %swap3A_197], %mul3A_195 {strides = array<i32>} : memref<80x128xf32, #tpu.memory_space<vmem>>, vector<16xf32>,
        %get3A_199 = arith.index_cast %scan3A_150 : i32 to index
        %get3A_200 = arith.constant 64 : index
        %get3A_201 = tpu.vector_load %arg15[%get3A_199, %get3A_200] {strides = array<i32>} : memref<80x128xf32, #tpu.memory_space<vmem>>, vector<16xf32>,
        %mul3A_202 = arith.mulf %get3A_201, %broadcast_in_dim3A_165 : vector<16xf32>
        %swap3A_203 = arith.index_cast %scan3A_150 : i32 to index
        %swap3A_204 = arith.constant 64 : index
        %swap3A_205 = tpu.vector_load %arg15[%swap3A_203, %swap3A_204] {strides = array<i32>} : memref<80x128xf32, #tpu.memory_space<vmem>>, vector<16xf32>,
        tpu.vector_store %arg15[%swap3A_203, %swap3A_204], %mul3A_202 {strides = array<i32>} : memref<80x128xf32, #tpu.memory_space<vmem>>, vector<16xf32>,
        %get3A_206 = arith.index_cast %scan3A_150 : i32 to index
        %get3A_207 = arith.constant 80 : index
        %get3A_208 = tpu.vector_load %arg15[%get3A_206, %get3A_207] {strides = array<i32>} : memref<80x128xf32, #tpu.memory_space<vmem>>, vector<16xf32>,
        %mul3A_209 = arith.mulf %get3A_208, %broadcast_in_dim3A_165 : vector<16xf32>
        %swap3A_210 = arith.index_cast %scan3A_150 : i32 to index
        %swap3A_211 = arith.constant 80 : index
        %swap3A_212 = tpu.vector_load %arg15[%swap3A_210, %swap3A_211] {strides = array<i32>} : memref<80x128xf32, #tpu.memory_space<vmem>>, vector<16xf32>,
        tpu.vector_store %arg15[%swap3A_210, %swap3A_211], %mul3A_209 {strides = array<i32>} : memref<80x128xf32, #tpu.memory_space<vmem>>, vector<16xf32>,
        %get3A_213 = arith.index_cast %scan3A_150 : i32 to index
        %get3A_214 = arith.constant 96 : index
        %get3A_215 = tpu.vector_load %arg15[%get3A_213, %get3A_214] {strides = array<i32>} : memref<80x128xf32, #tpu.memory_space<vmem>>, vector<16xf32>,
        %mul3A_216 = arith.mulf %get3A_215, %broadcast_in_dim3A_165 : vector<16xf32>
        %swap3A_217 = arith.index_cast %scan3A_150 : i32 to index
        %swap3A_218 = arith.constant 96 : index
        %swap3A_219 = tpu.vector_load %arg15[%swap3A_217, %swap3A_218] {strides = array<i32>} : memref<80x128xf32, #tpu.memory_space<vmem>>, vector<16xf32>,
        tpu.vector_store %arg15[%swap3A_217, %swap3A_218], %mul3A_216 {strides = array<i32>} : memref<80x128xf32, #tpu.memory_space<vmem>>, vector<16xf32>,
        %get3A_220 = arith.index_cast %scan3A_150 : i32 to index
        %get3A_221 = arith.constant 112 : index
        %get3A_222 = tpu.vector_load %arg15[%get3A_220, %get3A_221] {strides = array<i32>} : memref<80x128xf32, #tpu.memory_space<vmem>>, vector<16xf32>,
        %mul3A_223 = arith.mulf %get3A_222, %broadcast_in_dim3A_165 : vector<16xf32>
        %swap3A_224 = arith.index_cast %scan3A_150 : i32 to index
        %swap3A_225 = arith.constant 112 : index
        %swap3A_226 = tpu.vector_load %arg15[%swap3A_224, %swap3A_225] {strides = array<i32>} : memref<80x128xf32, #tpu.memory_space<vmem>>, vector<16xf32>,
        tpu.vector_store %arg15[%swap3A_224, %swap3A_225], %mul3A_223 {strides = array<i32>} : memref<80x128xf32, #tpu.memory_space<vmem>>, vector<16xf32>,
      }
      %scan3A_98 = arith.constant 80 : i32
      %dma_start3A_99 = arith.constant 0 : i32
      %dma_start3A_100 = arith.constant 0 : i32
      %dma_start3A_101 = tpu.memref_slice %arg23[%dma_start3A_99, %dma_start3A_100] : memref<10240x128xf32, #tpu.memory_space<vmem_shared>> -> memref<10240x128xf32, #tpu.memory_space<vmem_shared>>
      tpu.enqueue_indirect_dma source(%arg15 : memref<80x128xf32, #tpu.memory_space<vmem>>) target(%dma_start3A_101 : memref<10240x128xf32, #tpu.memory_space<vmem_shared>>) offsets(%arg13 : memref<80xi32, #tpu.memory_space<vmem>>) semaphore(%arg31 : memref<!tpu.dma_semaphore, #tpu.memory_space<semaphore_mem>>) {add = true}
      %dma_start3A_102 = arith.constant 0 : i32
      %dma_start3A_103 = arith.constant 0 : i32
      %dma_start3A_104 = tpu.memref_slice %arg24[%dma_start3A_102, %dma_start3A_103] : memref<10240x16xf32, #tpu.memory_space<vmem_shared>> -> memref<10240x16xf32, #tpu.memory_space<vmem_shared>>
      tpu.enqueue_indirect_dma source(%arg17 : memref<80x16xf32, #tpu.memory_space<vmem>>) target(%dma_start3A_104 : memref<10240x16xf32, #tpu.memory_space<vmem_shared>>) offsets(%arg13 : memref<80xi32, #tpu.memory_space<vmem>>) semaphore(%arg31 : memref<!tpu.dma_semaphore, #tpu.memory_space<semaphore_mem>>) {add = true}
      %mul3A_105 = arith.constant 2 : i32
      %mul3A_106 = arith.muli %mul3A_105, %scan3A_63 : i32
      %add3A_107 = arith.constant 1 : i32
      %add3A_108 = arith.addi %mul3A_106, %add3A_107 : i32
      %dma_wait3A_109 = arith.constant 0 : i32
      %dma_wait3A_110 = arith.constant 0 : i32
      %dma_wait3A_111 = tpu.memref_slice %arg23[%dma_wait3A_109, %dma_wait3A_110] : memref<10240x128xf32, #tpu.memory_space<vmem_shared>> -> memref<10240x128xf32, #tpu.memory_space<vmem_shared>>
      tpu.wait_indirect_dma semaphore(%arg31 : memref<!tpu.dma_semaphore, #tpu.memory_space<semaphore_mem>>) src(%arg15 : memref<80x128xf32, #tpu.memory_space<vmem>>) dst(%dma_wait3A_111 : memref<10240x128xf32, #tpu.memory_space<vmem_shared>>)
      %dma_wait3A_112 = arith.constant 0 : i32
      %dma_wait3A_113 = arith.constant 0 : i32
      %dma_wait3A_114 = tpu.memref_slice %arg24[%dma_wait3A_112, %dma_wait3A_113] : memref<10240x16xf32, #tpu.memory_space<vmem_shared>> -> memref<10240x16xf32, #tpu.memory_space<vmem_shared>>
      tpu.wait_indirect_dma semaphore(%arg31 : memref<!tpu.dma_semaphore, #tpu.memory_space<semaphore_mem>>) src(%arg17 : memref<80x16xf32, #tpu.memory_space<vmem>>) dst(%dma_wait3A_114 : memref<10240x16xf32, #tpu.memory_space<vmem_shared>>)
      %add3A_115 = arith.constant 1 : i32
      %add3A_116 = arith.addi %add3A_108, %add3A_115 : i32
      %mul3A_117 = arith.constant 80 : i32
      %mul3A_118 = arith.muli %add3A_116, %mul3A_117 : i32
      %add3A_119 = arith.addi %mul3A_6, %mul3A_118 : i32
      "tpu.region"() ({
        %run_scoped3A = tpu.sem_alloc : memref<!tpu.dma_semaphore, #tpu.memory_space<semaphore_mem>>
        %dma_start3A_150 = tpu.memref_slice %arg5[%add3A_119] : memref<320000xi32, #tpu.memory_space<hbm>> -> memref<80xi32, #tpu.memory_space<hbm>>
        %dma_start3A_151 = tpu.memref_slice %arg5[%add3A_119] : memref<320000xi32, #tpu.memory_space<hbm>> -> memref<80xi32, #tpu.memory_space<hbm>>
        tpu.enqueue_dma source(%dma_start3A_151 : memref<80xi32, #tpu.memory_space<hbm>>) target(%arg11 : memref<80xi32, #tpu.memory_space<vmem>>) target_semaphore(%run_scoped3A : memref<!tpu.dma_semaphore, #tpu.memory_space<semaphore_mem>>)
        %dma_wait3A_152 = tpu.memref_slice %arg5[%add3A_119] : memref<320000xi32, #tpu.memory_space<hbm>> -> memref<80xi32, #tpu.memory_space<hbm>>
        %dma_wait3A_153 = tpu.memref_slice %arg5[%add3A_119] : memref<320000xi32, #tpu.memory_space<hbm>> -> memref<80xi32, #tpu.memory_space<hbm>>
        tpu.wait_dma2 semaphore(%run_scoped3A : memref<!tpu.dma_semaphore, #tpu.memory_space<semaphore_mem>>) src(%dma_wait3A_153 : memref<80xi32, #tpu.memory_space<hbm>>) dst(%arg11 : memref<80xi32, #tpu.memory_space<vmem>>)
        tpu.yield
      }) : () -> ()
      "tpu.region"() ({
        %run_scoped3A = tpu.sem_alloc : memref<!tpu.dma_semaphore, #tpu.memory_space<semaphore_mem>>
        %dma_start3A_150 = tpu.memref_slice %arg6[%add3A_119] : memref<320000xi32, #tpu.memory_space<hbm>> -> memref<80xi32, #tpu.memory_space<hbm>>
        %dma_start3A_151 = tpu.memref_slice %arg6[%add3A_119] : memref<320000xi32, #tpu.memory_space<hbm>> -> memref<80xi32, #tpu.memory_space<hbm>>
        tpu.enqueue_dma source(%dma_start3A_151 : memref<80xi32, #tpu.memory_space<hbm>>) target(%arg13 : memref<80xi32, #tpu.memory_space<vmem>>) target_semaphore(%run_scoped3A : memref<!tpu.dma_semaphore, #tpu.memory_space<semaphore_mem>>)
        %dma_wait3A_152 = tpu.memref_slice %arg6[%add3A_119] : memref<320000xi32, #tpu.memory_space<hbm>> -> memref<80xi32, #tpu.memory_space<hbm>>
        %dma_wait3A_153 = tpu.memref_slice %arg6[%add3A_119] : memref<320000xi32, #tpu.memory_space<hbm>> -> memref<80xi32, #tpu.memory_space<hbm>>
        tpu.wait_dma2 semaphore(%run_scoped3A : memref<!tpu.dma_semaphore, #tpu.memory_space<semaphore_mem>>) src(%dma_wait3A_153 : memref<80xi32, #tpu.memory_space<hbm>>) dst(%arg13 : memref<80xi32, #tpu.memory_space<vmem>>)
        tpu.yield
      }) : () -> ()
      %dma_start3A_120 = arith.constant 0 : i32
      %dma_start3A_121 = arith.constant 0 : i32
      %dma_start3A_122 = tpu.memref_slice %arg2[%dma_start3A_120, %dma_start3A_121] : memref<10000x128xf32, #tpu.memory_space<hbm>> -> memref<10000x128xf32, #tpu.memory_space<hbm>>
      tpu.enqueue_indirect_dma source(%dma_start3A_122 : memref<10000x128xf32, #tpu.memory_space<hbm>>) target(%arg15 : memref<80x128xf32, #tpu.memory_space<vmem>>) offsets(%arg11 : memref<80xi32, #tpu.memory_space<vmem>>) semaphore(%arg25 : memref<!tpu.dma_semaphore, #tpu.memory_space<semaphore_mem>>)
      %dma_start3A_123 = arith.constant 0 : i32
      %dma_start3A_124 = arith.constant 0 : i32
      %dma_start3A_125 = tpu.memref_slice %arg3[%dma_start3A_123, %dma_start3A_124] : memref<10000x16xf32, #tpu.memory_space<hbm>> -> memref<10000x16xf32, #tpu.memory_space<hbm>>
      tpu.enqueue_indirect_dma source(%dma_start3A_125 : memref<10000x16xf32, #tpu.memory_space<hbm>>) target(%arg19 : memref<80x16xf32, #tpu.memory_space<vmem>>) offsets(%arg11 : memref<80xi32, #tpu.memory_space<vmem>>) semaphore(%arg27 : memref<!tpu.dma_semaphore, #tpu.memory_space<semaphore_mem>>)
      %dma_start3A_126 = arith.constant 0 : i32
      %dma_start3A_127 = arith.constant 0 : i32
      %dma_start3A_128 = tpu.memref_slice %arg4[%dma_start3A_126, %dma_start3A_127] : memref<10000x16xf32, #tpu.memory_space<hbm>> -> memref<10000x16xf32, #tpu.memory_space<hbm>>
      tpu.enqueue_indirect_dma source(%dma_start3A_128 : memref<10000x16xf32, #tpu.memory_space<hbm>>) target(%arg21 : memref<80x16xf32, #tpu.memory_space<vmem>>) offsets(%arg13 : memref<80xi32, #tpu.memory_space<vmem>>) semaphore(%arg29 : memref<!tpu.dma_semaphore, #tpu.memory_space<semaphore_mem>>)
      %dma_wait3A_129 = arith.constant 0 : i32
      %dma_wait3A_130 = arith.constant 0 : i32
      %dma_wait3A_131 = tpu.memref_slice %arg2[%dma_wait3A_129, %dma_wait3A_130] : memref<10000x128xf32, #tpu.memory_space<hbm>> -> memref<10000x128xf32, #tpu.memory_space<hbm>>
      tpu.wait_indirect_dma semaphore(%arg26 : memref<!tpu.dma_semaphore, #tpu.memory_space<semaphore_mem>>) src(%dma_wait3A_131 : memref<10000x128xf32, #tpu.memory_space<hbm>>) dst(%arg16 : memref<80x128xf32, #tpu.memory_space<vmem>>)
      %dma_wait3A_132 = arith.constant 0 : i32
      %dma_wait3A_133 = arith.constant 0 : i32
      %dma_wait3A_134 = tpu.memref_slice %arg3[%dma_wait3A_132, %dma_wait3A_133] : memref<10000x16xf32, #tpu.memory_space<hbm>> -> memref<10000x16xf32, #tpu.memory_space<hbm>>
      tpu.wait_indirect_dma semaphore(%arg28 : memref<!tpu.dma_semaphore, #tpu.memory_space<semaphore_mem>>) src(%dma_wait3A_134 : memref<10000x16xf32, #tpu.memory_space<hbm>>) dst(%arg20 : memref<80x16xf32, #tpu.memory_space<vmem>>)
      %dma_wait3A_135 = arith.constant 0 : i32
      %dma_wait3A_136 = arith.constant 0 : i32
      %dma_wait3A_137 = tpu.memref_slice %arg4[%dma_wait3A_135, %dma_wait3A_136] : memref<10000x16xf32, #tpu.memory_space<hbm>> -> memref<10000x16xf32, #tpu.memory_space<hbm>>
      tpu.wait_indirect_dma semaphore(%arg30 : memref<!tpu.dma_semaphore, #tpu.memory_space<semaphore_mem>>) src(%dma_wait3A_137 : memref<10000x16xf32, #tpu.memory_space<hbm>>) dst(%arg22 : memref<80x16xf32, #tpu.memory_space<vmem>>)
      %scan3A_138 = arith.constant 0 : i32
      %scan3A_139 = arith.constant 0 : i32
      %scan3A_140 = arith.constant 80 : i32
      %scan3A_141 = arith.addi %scan3A_139, %scan3A_140 : i32
      %scan3A_142 = arith.constant 1 : i32
      scf.for %scan3A_150 = %scan3A_139 to %scan3A_141 step %scan3A_142  : i32 {
        %get3A = arith.index_cast %scan3A_150 : i32 to index
        %get3A_151 = arith.constant 0 : index
        %get3A_152 = tpu.vector_load %arg20[%get3A, %get3A_151] {strides = array<i32>} : memref<80x16xf32, #tpu.memory_space<vmem>>, vector<16xf32>,
        %get3A_153 = arith.index_cast %scan3A_150 : i32 to index
        %get3A_154 = arith.constant 0 : index
        %get3A_155 = tpu.vector_load %arg22[%get3A_153, %get3A_154] {strides = array<i32>} : memref<80x16xf32, #tpu.memory_space<vmem>>, vector<16xf32>,
        %add3A_156 = arith.addf %get3A_152, %get3A_155 : vector<16xf32>
        %gt3A_157 = arith.constant 0.000000e+00 : f32
        %gt3A_158 = vector.broadcast %gt3A_157 : f32 to vector<16xf32>
        %gt3A_159 = arith.cmpf ogt, %add3A_156, %gt3A_158 : vector<16xf32>
        %mul3A_160 = arith.constant 2.000000e-01 : f32
        %mul3A_161 = vector.broadcast %mul3A_160 : f32 to vector<16xf32>
        %mul3A_162 = arith.mulf %add3A_156, %mul3A_161 : vector<16xf32>
        %select_n3A = arith.select %gt3A_159, %add3A_156, %mul3A_162 : vector<16xi1>, vector<16xf32>
        %exp3A = math.exp %select_n3A : vector<16xf32>
        %slice3A = vector.extract_strided_slice %exp3A {offsets = [0], sizes = [1], strides = [1]} : vector<16xf32> to vector<1xf32>
        %squeeze3A = vector.extract %slice3A[0] : f32 from vector<1xf32>
        %broadcast_in_dim3A = vector.broadcast %squeeze3A : f32 to vector<16xf32>
        %slice3A_163 = vector.extract_strided_slice %exp3A {offsets = [1], sizes = [1], strides = [1]} : vector<16xf32> to vector<1xf32>
        %squeeze3A_164 = vector.extract %slice3A_163[0] : f32 from vector<1xf32>
        %broadcast_in_dim3A_165 = vector.broadcast %squeeze3A_164 : f32 to vector<16xf32>
        %lt3A = arith.constant 8 : i32
        %lt3A_166 = vector.broadcast %lt3A : i32 to vector<16xi32>
        %lt3A_167 = arith.cmpi slt, %iota3A, %lt3A_166 : vector<16xi32>
        %select_n3A_168 = arith.select %lt3A_167, %broadcast_in_dim3A, %broadcast_in_dim3A_165 : vector<16xi1>, vector<16xf32>
        %swap3A = arith.index_cast %scan3A_150 : i32 to index
        %swap3A_169 = arith.constant 0 : index
        %swap3A_170 = tpu.vector_load %arg18[%swap3A, %swap3A_169] {strides = array<i32>} : memref<80x16xf32, #tpu.memory_space<vmem>>, vector<16xf32>,
        tpu.vector_store %arg18[%swap3A, %swap3A_169], %select_n3A_168 {strides = array<i32>} : memref<80x16xf32, #tpu.memory_space<vmem>>, vector<16xf32>,
        %get3A_171 = arith.index_cast %scan3A_150 : i32 to index
        %get3A_172 = arith.constant 0 : index
        %get3A_173 = tpu.vector_load %arg16[%get3A_171, %get3A_172] {strides = array<i32>} : memref<80x128xf32, #tpu.memory_space<vmem>>, vector<16xf32>,
        %mul3A_174 = arith.mulf %get3A_173, %broadcast_in_dim3A : vector<16xf32>
        %swap3A_175 = arith.index_cast %scan3A_150 : i32 to index
        %swap3A_176 = arith.constant 0 : index
        %swap3A_177 = tpu.vector_load %arg16[%swap3A_175, %swap3A_176] {strides = array<i32>} : memref<80x128xf32, #tpu.memory_space<vmem>>, vector<16xf32>,
        tpu.vector_store %arg16[%swap3A_175, %swap3A_176], %mul3A_174 {strides = array<i32>} : memref<80x128xf32, #tpu.memory_space<vmem>>, vector<16xf32>,
        %get3A_178 = arith.index_cast %scan3A_150 : i32 to index
        %get3A_179 = arith.constant 16 : index
        %get3A_180 = tpu.vector_load %arg16[%get3A_178, %get3A_179] {strides = array<i32>} : memref<80x128xf32, #tpu.memory_space<vmem>>, vector<16xf32>,
        %mul3A_181 = arith.mulf %get3A_180, %broadcast_in_dim3A : vector<16xf32>
        %swap3A_182 = arith.index_cast %scan3A_150 : i32 to index
        %swap3A_183 = arith.constant 16 : index
        %swap3A_184 = tpu.vector_load %arg16[%swap3A_182, %swap3A_183] {strides = array<i32>} : memref<80x128xf32, #tpu.memory_space<vmem>>, vector<16xf32>,
        tpu.vector_store %arg16[%swap3A_182, %swap3A_183], %mul3A_181 {strides = array<i32>} : memref<80x128xf32, #tpu.memory_space<vmem>>, vector<16xf32>,
        %get3A_185 = arith.index_cast %scan3A_150 : i32 to index
        %get3A_186 = arith.constant 32 : index
        %get3A_187 = tpu.vector_load %arg16[%get3A_185, %get3A_186] {strides = array<i32>} : memref<80x128xf32, #tpu.memory_space<vmem>>, vector<16xf32>,
        %mul3A_188 = arith.mulf %get3A_187, %broadcast_in_dim3A : vector<16xf32>
        %swap3A_189 = arith.index_cast %scan3A_150 : i32 to index
        %swap3A_190 = arith.constant 32 : index
        %swap3A_191 = tpu.vector_load %arg16[%swap3A_189, %swap3A_190] {strides = array<i32>} : memref<80x128xf32, #tpu.memory_space<vmem>>, vector<16xf32>,
        tpu.vector_store %arg16[%swap3A_189, %swap3A_190], %mul3A_188 {strides = array<i32>} : memref<80x128xf32, #tpu.memory_space<vmem>>, vector<16xf32>,
        %get3A_192 = arith.index_cast %scan3A_150 : i32 to index
        %get3A_193 = arith.constant 48 : index
        %get3A_194 = tpu.vector_load %arg16[%get3A_192, %get3A_193] {strides = array<i32>} : memref<80x128xf32, #tpu.memory_space<vmem>>, vector<16xf32>,
        %mul3A_195 = arith.mulf %get3A_194, %broadcast_in_dim3A : vector<16xf32>
        %swap3A_196 = arith.index_cast %scan3A_150 : i32 to index
        %swap3A_197 = arith.constant 48 : index
        %swap3A_198 = tpu.vector_load %arg16[%swap3A_196, %swap3A_197] {strides = array<i32>} : memref<80x128xf32, #tpu.memory_space<vmem>>, vector<16xf32>,
        tpu.vector_store %arg16[%swap3A_196, %swap3A_197], %mul3A_195 {strides = array<i32>} : memref<80x128xf32, #tpu.memory_space<vmem>>, vector<16xf32>,
        %get3A_199 = arith.index_cast %scan3A_150 : i32 to index
        %get3A_200 = arith.constant 64 : index
        %get3A_201 = tpu.vector_load %arg16[%get3A_199, %get3A_200] {strides = array<i32>} : memref<80x128xf32, #tpu.memory_space<vmem>>, vector<16xf32>,
        %mul3A_202 = arith.mulf %get3A_201, %broadcast_in_dim3A_165 : vector<16xf32>
        %swap3A_203 = arith.index_cast %scan3A_150 : i32 to index
        %swap3A_204 = arith.constant 64 : index
        %swap3A_205 = tpu.vector_load %arg16[%swap3A_203, %swap3A_204] {strides = array<i32>} : memref<80x128xf32, #tpu.memory_space<vmem>>, vector<16xf32>,
        tpu.vector_store %arg16[%swap3A_203, %swap3A_204], %mul3A_202 {strides = array<i32>} : memref<80x128xf32, #tpu.memory_space<vmem>>, vector<16xf32>,
        %get3A_206 = arith.index_cast %scan3A_150 : i32 to index
        %get3A_207 = arith.constant 80 : index
        %get3A_208 = tpu.vector_load %arg16[%get3A_206, %get3A_207] {strides = array<i32>} : memref<80x128xf32, #tpu.memory_space<vmem>>, vector<16xf32>,
        %mul3A_209 = arith.mulf %get3A_208, %broadcast_in_dim3A_165 : vector<16xf32>
        %swap3A_210 = arith.index_cast %scan3A_150 : i32 to index
        %swap3A_211 = arith.constant 80 : index
        %swap3A_212 = tpu.vector_load %arg16[%swap3A_210, %swap3A_211] {strides = array<i32>} : memref<80x128xf32, #tpu.memory_space<vmem>>, vector<16xf32>,
        tpu.vector_store %arg16[%swap3A_210, %swap3A_211], %mul3A_209 {strides = array<i32>} : memref<80x128xf32, #tpu.memory_space<vmem>>, vector<16xf32>,
        %get3A_213 = arith.index_cast %scan3A_150 : i32 to index
        %get3A_214 = arith.constant 96 : index
        %get3A_215 = tpu.vector_load %arg16[%get3A_213, %get3A_214] {strides = array<i32>} : memref<80x128xf32, #tpu.memory_space<vmem>>, vector<16xf32>,
        %mul3A_216 = arith.mulf %get3A_215, %broadcast_in_dim3A_165 : vector<16xf32>
        %swap3A_217 = arith.index_cast %scan3A_150 : i32 to index
        %swap3A_218 = arith.constant 96 : index
        %swap3A_219 = tpu.vector_load %arg16[%swap3A_217, %swap3A_218] {strides = array<i32>} : memref<80x128xf32, #tpu.memory_space<vmem>>, vector<16xf32>,
        tpu.vector_store %arg16[%swap3A_217, %swap3A_218], %mul3A_216 {strides = array<i32>} : memref<80x128xf32, #tpu.memory_space<vmem>>, vector<16xf32>,
        %get3A_220 = arith.index_cast %scan3A_150 : i32 to index
        %get3A_221 = arith.constant 112 : index
        %get3A_222 = tpu.vector_load %arg16[%get3A_220, %get3A_221] {strides = array<i32>} : memref<80x128xf32, #tpu.memory_space<vmem>>, vector<16xf32>,
        %mul3A_223 = arith.mulf %get3A_222, %broadcast_in_dim3A_165 : vector<16xf32>
        %swap3A_224 = arith.index_cast %scan3A_150 : i32 to index
        %swap3A_225 = arith.constant 112 : index
        %swap3A_226 = tpu.vector_load %arg16[%swap3A_224, %swap3A_225] {strides = array<i32>} : memref<80x128xf32, #tpu.memory_space<vmem>>, vector<16xf32>,
        tpu.vector_store %arg16[%swap3A_224, %swap3A_225], %mul3A_223 {strides = array<i32>} : memref<80x128xf32, #tpu.memory_space<vmem>>, vector<16xf32>,
      }
      %scan3A_143 = arith.constant 80 : i32
      %dma_start3A_144 = arith.constant 0 : i32
      %dma_start3A_145 = arith.constant 0 : i32
      %dma_start3A_146 = tpu.memref_slice %arg23[%dma_start3A_144, %dma_start3A_145] : memref<10240x128xf32, #tpu.memory_space<vmem_shared>> -> memref<10240x128xf32, #tpu.memory_space<vmem_shared>>
      tpu.enqueue_indirect_dma source(%arg16 : memref<80x128xf32, #tpu.memory_space<vmem>>) target(%dma_start3A_146 : memref<10240x128xf32, #tpu.memory_space<vmem_shared>>) offsets(%arg14 : memref<80xi32, #tpu.memory_space<vmem>>) semaphore(%arg32 : memref<!tpu.dma_semaphore, #tpu.memory_space<semaphore_mem>>) {add = true}
      %dma_start3A_147 = arith.constant 0 : i32
      %dma_start3A_148 = arith.constant 0 : i32
      %dma_start3A_149 = tpu.memref_slice %arg24[%dma_start3A_147, %dma_start3A_148] : memref<10240x16xf32, #tpu.memory_space<vmem_shared>> -> memref<10240x16xf32, #tpu.memory_space<vmem_shared>>
      tpu.enqueue_indirect_dma source(%arg18 : memref<80x16xf32, #tpu.memory_space<vmem>>) target(%dma_start3A_149 : memref<10240x16xf32, #tpu.memory_space<vmem_shared>>) offsets(%arg14 : memref<80xi32, #tpu.memory_space<vmem>>) semaphore(%arg32 : memref<!tpu.dma_semaphore, #tpu.memory_space<semaphore_mem>>) {add = true}
    }
    %scan3A_21 = arith.constant 62 : i32
    %dma_wait3A = arith.constant 0 : i32
    %dma_wait3A_22 = arith.constant 0 : i32
    %dma_wait3A_23 = tpu.memref_slice %arg23[%dma_wait3A, %dma_wait3A_22] : memref<10240x128xf32, #tpu.memory_space<vmem_shared>> -> memref<10240x128xf32, #tpu.memory_space<vmem_shared>>
    tpu.wait_indirect_dma semaphore(%arg32 : memref<!tpu.dma_semaphore, #tpu.memory_space<semaphore_mem>>) src(%arg16 : memref<80x128xf32, #tpu.memory_space<vmem>>) dst(%dma_wait3A_23 : memref<10240x128xf32, #tpu.memory_space<vmem_shared>>)
    %dma_wait3A_24 = arith.constant 0 : i32
    %dma_wait3A_25 = arith.constant 0 : i32
    %dma_wait3A_26 = tpu.memref_slice %arg24[%dma_wait3A_24, %dma_wait3A_25] : memref<10240x16xf32, #tpu.memory_space<vmem_shared>> -> memref<10240x16xf32, #tpu.memory_space<vmem_shared>>
    tpu.wait_indirect_dma semaphore(%arg32 : memref<!tpu.dma_semaphore, #tpu.memory_space<semaphore_mem>>) src(%arg18 : memref<80x16xf32, #tpu.memory_space<vmem>>) dst(%dma_wait3A_26 : memref<10240x16xf32, #tpu.memory_space<vmem_shared>>)
    %dma_wait3A_27 = arith.constant 0 : i32
    %dma_wait3A_28 = arith.constant 0 : i32
    %dma_wait3A_29 = tpu.memref_slice %arg2[%dma_wait3A_27, %dma_wait3A_28] : memref<10000x128xf32, #tpu.memory_space<hbm>> -> memref<10000x128xf32, #tpu.memory_space<hbm>>
    tpu.wait_indirect_dma semaphore(%arg25 : memref<!tpu.dma_semaphore, #tpu.memory_space<semaphore_mem>>) src(%dma_wait3A_29 : memref<10000x128xf32, #tpu.memory_space<hbm>>) dst(%arg15 : memref<80x128xf32, #tpu.memory_space<vmem>>)
    %dma_wait3A_30 = arith.constant 0 : i32
    %dma_wait3A_31 = arith.constant 0 : i32
    %dma_wait3A_32 = tpu.memref_slice %arg3[%dma_wait3A_30, %dma_wait3A_31] : memref<10000x16xf32, #tpu.memory_space<hbm>> -> memref<10000x16xf32, #tpu.memory_space<hbm>>
    tpu.wait_indirect_dma semaphore(%arg27 : memref<!tpu.dma_semaphore, #tpu.memory_space<semaphore_mem>>) src(%dma_wait3A_32 : memref<10000x16xf32, #tpu.memory_space<hbm>>) dst(%arg19 : memref<80x16xf32, #tpu.memory_space<vmem>>)
    %dma_wait3A_33 = arith.constant 0 : i32
    %dma_wait3A_34 = arith.constant 0 : i32
    %dma_wait3A_35 = tpu.memref_slice %arg4[%dma_wait3A_33, %dma_wait3A_34] : memref<10000x16xf32, #tpu.memory_space<hbm>> -> memref<10000x16xf32, #tpu.memory_space<hbm>>
    tpu.wait_indirect_dma semaphore(%arg29 : memref<!tpu.dma_semaphore, #tpu.memory_space<semaphore_mem>>) src(%dma_wait3A_35 : memref<10000x16xf32, #tpu.memory_space<hbm>>) dst(%arg21 : memref<80x16xf32, #tpu.memory_space<vmem>>)
    %scan3A_36 = arith.constant 0 : i32
    %scan3A_37 = arith.constant 0 : i32
    %scan3A_38 = arith.constant 80 : i32
    %scan3A_39 = arith.addi %scan3A_37, %scan3A_38 : i32
    %scan3A_40 = arith.constant 1 : i32
    scf.for %scan3A_63 = %scan3A_37 to %scan3A_39 step %scan3A_40  : i32 {
      %get3A = arith.index_cast %scan3A_63 : i32 to index
      %get3A_64 = arith.constant 0 : index
      %get3A_65 = tpu.vector_load %arg19[%get3A, %get3A_64] {strides = array<i32>} : memref<80x16xf32, #tpu.memory_space<vmem>>, vector<16xf32>,
      %get3A_66 = arith.index_cast %scan3A_63 : i32 to index
      %get3A_67 = arith.constant 0 : index
      %get3A_68 = tpu.vector_load %arg21[%get3A_66, %get3A_67] {strides = array<i32>} : memref<80x16xf32, #tpu.memory_space<vmem>>, vector<16xf32>,
      %add3A_69 = arith.addf %get3A_65, %get3A_68 : vector<16xf32>
      %gt3A = arith.constant 0.000000e+00 : f32
      %gt3A_70 = vector.broadcast %gt3A : f32 to vector<16xf32>
      %gt3A_71 = arith.cmpf ogt, %add3A_69, %gt3A_70 : vector<16xf32>
      %mul3A_72 = arith.constant 2.000000e-01 : f32
      %mul3A_73 = vector.broadcast %mul3A_72 : f32 to vector<16xf32>
      %mul3A_74 = arith.mulf %add3A_69, %mul3A_73 : vector<16xf32>
      %select_n3A = arith.select %gt3A_71, %add3A_69, %mul3A_74 : vector<16xi1>, vector<16xf32>
      %exp3A = math.exp %select_n3A : vector<16xf32>
      %slice3A = vector.extract_strided_slice %exp3A {offsets = [0], sizes = [1], strides = [1]} : vector<16xf32> to vector<1xf32>
      %squeeze3A = vector.extract %slice3A[0] : f32 from vector<1xf32>
      %broadcast_in_dim3A = vector.broadcast %squeeze3A : f32 to vector<16xf32>
      %slice3A_75 = vector.extract_strided_slice %exp3A {offsets = [1], sizes = [1], strides = [1]} : vector<16xf32> to vector<1xf32>
      %squeeze3A_76 = vector.extract %slice3A_75[0] : f32 from vector<1xf32>
      %broadcast_in_dim3A_77 = vector.broadcast %squeeze3A_76 : f32 to vector<16xf32>
      %lt3A = arith.constant 8 : i32
      %lt3A_78 = vector.broadcast %lt3A : i32 to vector<16xi32>
      %lt3A_79 = arith.cmpi slt, %iota3A, %lt3A_78 : vector<16xi32>
      %select_n3A_80 = arith.select %lt3A_79, %broadcast_in_dim3A, %broadcast_in_dim3A_77 : vector<16xi1>, vector<16xf32>
      %swap3A = arith.index_cast %scan3A_63 : i32 to index
      %swap3A_81 = arith.constant 0 : index
      %swap3A_82 = tpu.vector_load %arg17[%swap3A, %swap3A_81] {strides = array<i32>} : memref<80x16xf32, #tpu.memory_space<vmem>>, vector<16xf32>,
      tpu.vector_store %arg17[%swap3A, %swap3A_81], %select_n3A_80 {strides = array<i32>} : memref<80x16xf32, #tpu.memory_space<vmem>>, vector<16xf32>,
      %get3A_83 = arith.index_cast %scan3A_63 : i32 to index
      %get3A_84 = arith.constant 0 : index
      %get3A_85 = tpu.vector_load %arg15[%get3A_83, %get3A_84] {strides = array<i32>} : memref<80x128xf32, #tpu.memory_space<vmem>>, vector<16xf32>,
      %mul3A_86 = arith.mulf %get3A_85, %broadcast_in_dim3A : vector<16xf32>
      %swap3A_87 = arith.index_cast %scan3A_63 : i32 to index
      %swap3A_88 = arith.constant 0 : index
      %swap3A_89 = tpu.vector_load %arg15[%swap3A_87, %swap3A_88] {strides = array<i32>} : memref<80x128xf32, #tpu.memory_space<vmem>>, vector<16xf32>,
      tpu.vector_store %arg15[%swap3A_87, %swap3A_88], %mul3A_86 {strides = array<i32>} : memref<80x128xf32, #tpu.memory_space<vmem>>, vector<16xf32>,
      %get3A_90 = arith.index_cast %scan3A_63 : i32 to index
      %get3A_91 = arith.constant 16 : index
      %get3A_92 = tpu.vector_load %arg15[%get3A_90, %get3A_91] {strides = array<i32>} : memref<80x128xf32, #tpu.memory_space<vmem>>, vector<16xf32>,
      %mul3A_93 = arith.mulf %get3A_92, %broadcast_in_dim3A : vector<16xf32>
      %swap3A_94 = arith.index_cast %scan3A_63 : i32 to index
      %swap3A_95 = arith.constant 16 : index
      %swap3A_96 = tpu.vector_load %arg15[%swap3A_94, %swap3A_95] {strides = array<i32>} : memref<80x128xf32, #tpu.memory_space<vmem>>, vector<16xf32>,
      tpu.vector_store %arg15[%swap3A_94, %swap3A_95], %mul3A_93 {strides = array<i32>} : memref<80x128xf32, #tpu.memory_space<vmem>>, vector<16xf32>,
      %get3A_97 = arith.index_cast %scan3A_63 : i32 to index
      %get3A_98 = arith.constant 32 : index
      %get3A_99 = tpu.vector_load %arg15[%get3A_97, %get3A_98] {strides = array<i32>} : memref<80x128xf32, #tpu.memory_space<vmem>>, vector<16xf32>,
      %mul3A_100 = arith.mulf %get3A_99, %broadcast_in_dim3A : vector<16xf32>
      %swap3A_101 = arith.index_cast %scan3A_63 : i32 to index
      %swap3A_102 = arith.constant 32 : index
      %swap3A_103 = tpu.vector_load %arg15[%swap3A_101, %swap3A_102] {strides = array<i32>} : memref<80x128xf32, #tpu.memory_space<vmem>>, vector<16xf32>,
      tpu.vector_store %arg15[%swap3A_101, %swap3A_102], %mul3A_100 {strides = array<i32>} : memref<80x128xf32, #tpu.memory_space<vmem>>, vector<16xf32>,
      %get3A_104 = arith.index_cast %scan3A_63 : i32 to index
      %get3A_105 = arith.constant 48 : index
      %get3A_106 = tpu.vector_load %arg15[%get3A_104, %get3A_105] {strides = array<i32>} : memref<80x128xf32, #tpu.memory_space<vmem>>, vector<16xf32>,
      %mul3A_107 = arith.mulf %get3A_106, %broadcast_in_dim3A : vector<16xf32>
      %swap3A_108 = arith.index_cast %scan3A_63 : i32 to index
      %swap3A_109 = arith.constant 48 : index
      %swap3A_110 = tpu.vector_load %arg15[%swap3A_108, %swap3A_109] {strides = array<i32>} : memref<80x128xf32, #tpu.memory_space<vmem>>, vector<16xf32>,
      tpu.vector_store %arg15[%swap3A_108, %swap3A_109], %mul3A_107 {strides = array<i32>} : memref<80x128xf32, #tpu.memory_space<vmem>>, vector<16xf32>,
      %get3A_111 = arith.index_cast %scan3A_63 : i32 to index
      %get3A_112 = arith.constant 64 : index
      %get3A_113 = tpu.vector_load %arg15[%get3A_111, %get3A_112] {strides = array<i32>} : memref<80x128xf32, #tpu.memory_space<vmem>>, vector<16xf32>,
      %mul3A_114 = arith.mulf %get3A_113, %broadcast_in_dim3A_77 : vector<16xf32>
      %swap3A_115 = arith.index_cast %scan3A_63 : i32 to index
      %swap3A_116 = arith.constant 64 : index
      %swap3A_117 = tpu.vector_load %arg15[%swap3A_115, %swap3A_116] {strides = array<i32>} : memref<80x128xf32, #tpu.memory_space<vmem>>, vector<16xf32>,
      tpu.vector_store %arg15[%swap3A_115, %swap3A_116], %mul3A_114 {strides = array<i32>} : memref<80x128xf32, #tpu.memory_space<vmem>>, vector<16xf32>,
      %get3A_118 = arith.index_cast %scan3A_63 : i32 to index
      %get3A_119 = arith.constant 80 : index
      %get3A_120 = tpu.vector_load %arg15[%get3A_118, %get3A_119] {strides = array<i32>} : memref<80x128xf32, #tpu.memory_space<vmem>>, vector<16xf32>,
      %mul3A_121 = arith.mulf %get3A_120, %broadcast_in_dim3A_77 : vector<16xf32>
      %swap3A_122 = arith.index_cast %scan3A_63 : i32 to index
      %swap3A_123 = arith.constant 80 : index
      %swap3A_124 = tpu.vector_load %arg15[%swap3A_122, %swap3A_123] {strides = array<i32>} : memref<80x128xf32, #tpu.memory_space<vmem>>, vector<16xf32>,
      tpu.vector_store %arg15[%swap3A_122, %swap3A_123], %mul3A_121 {strides = array<i32>} : memref<80x128xf32, #tpu.memory_space<vmem>>, vector<16xf32>,
      %get3A_125 = arith.index_cast %scan3A_63 : i32 to index
      %get3A_126 = arith.constant 96 : index
      %get3A_127 = tpu.vector_load %arg15[%get3A_125, %get3A_126] {strides = array<i32>} : memref<80x128xf32, #tpu.memory_space<vmem>>, vector<16xf32>,
      %mul3A_128 = arith.mulf %get3A_127, %broadcast_in_dim3A_77 : vector<16xf32>
      %swap3A_129 = arith.index_cast %scan3A_63 : i32 to index
      %swap3A_130 = arith.constant 96 : index
      %swap3A_131 = tpu.vector_load %arg15[%swap3A_129, %swap3A_130] {strides = array<i32>} : memref<80x128xf32, #tpu.memory_space<vmem>>, vector<16xf32>,
      tpu.vector_store %arg15[%swap3A_129, %swap3A_130], %mul3A_128 {strides = array<i32>} : memref<80x128xf32, #tpu.memory_space<vmem>>, vector<16xf32>,
      %get3A_132 = arith.index_cast %scan3A_63 : i32 to index
      %get3A_133 = arith.constant 112 : index
      %get3A_134 = tpu.vector_load %arg15[%get3A_132, %get3A_133] {strides = array<i32>} : memref<80x128xf32, #tpu.memory_space<vmem>>, vector<16xf32>,
      %mul3A_135 = arith.mulf %get3A_134, %broadcast_in_dim3A_77 : vector<16xf32>
      %swap3A_136 = arith.index_cast %scan3A_63 : i32 to index
      %swap3A_137 = arith.constant 112 : index
      %swap3A_138 = tpu.vector_load %arg15[%swap3A_136, %swap3A_137] {strides = array<i32>} : memref<80x128xf32, #tpu.memory_space<vmem>>, vector<16xf32>,
      tpu.vector_store %arg15[%swap3A_136, %swap3A_137], %mul3A_135 {strides = array<i32>} : memref<80x128xf32, #tpu.memory_space<vmem>>, vector<16xf32>,
    }
    %scan3A_41 = arith.constant 80 : i32
    %dma_start3A_42 = arith.constant 0 : i32
    %dma_start3A_43 = arith.constant 0 : i32
    %dma_start3A_44 = tpu.memref_slice %arg23[%dma_start3A_42, %dma_start3A_43] : memref<10240x128xf32, #tpu.memory_space<vmem_shared>> -> memref<10240x128xf32, #tpu.memory_space<vmem_shared>>
    tpu.enqueue_indirect_dma source(%arg15 : memref<80x128xf32, #tpu.memory_space<vmem>>) target(%dma_start3A_44 : memref<10240x128xf32, #tpu.memory_space<vmem_shared>>) offsets(%arg13 : memref<80xi32, #tpu.memory_space<vmem>>) semaphore(%arg31 : memref<!tpu.dma_semaphore, #tpu.memory_space<semaphore_mem>>) {add = true}
    %dma_start3A_45 = arith.constant 0 : i32
    %dma_start3A_46 = arith.constant 0 : i32
    %dma_start3A_47 = tpu.memref_slice %arg24[%dma_start3A_45, %dma_start3A_46] : memref<10240x16xf32, #tpu.memory_space<vmem_shared>> -> memref<10240x16xf32, #tpu.memory_space<vmem_shared>>
    tpu.enqueue_indirect_dma source(%arg17 : memref<80x16xf32, #tpu.memory_space<vmem>>) target(%dma_start3A_47 : memref<10240x16xf32, #tpu.memory_space<vmem_shared>>) offsets(%arg13 : memref<80xi32, #tpu.memory_space<vmem>>) semaphore(%arg31 : memref<!tpu.dma_semaphore, #tpu.memory_space<semaphore_mem>>) {add = true}
    %dma_wait3A_48 = arith.constant 0 : i32
    %dma_wait3A_49 = arith.constant 0 : i32
    %dma_wait3A_50 = tpu.memref_slice %arg23[%dma_wait3A_48, %dma_wait3A_49] : memref<10240x128xf32, #tpu.memory_space<vmem_shared>> -> memref<10240x128xf32, #tpu.memory_space<vmem_shared>>
    tpu.wait_indirect_dma semaphore(%arg31 : memref<!tpu.dma_semaphore, #tpu.memory_space<semaphore_mem>>) src(%arg15 : memref<80x128xf32, #tpu.memory_space<vmem>>) dst(%dma_wait3A_50 : memref<10240x128xf32, #tpu.memory_space<vmem_shared>>)
    %dma_wait3A_51 = arith.constant 0 : i32
    %dma_wait3A_52 = arith.constant 0 : i32
    %dma_wait3A_53 = tpu.memref_slice %arg24[%dma_wait3A_51, %dma_wait3A_52] : memref<10240x16xf32, #tpu.memory_space<vmem_shared>> -> memref<10240x16xf32, #tpu.memory_space<vmem_shared>>
    tpu.wait_indirect_dma semaphore(%arg31 : memref<!tpu.dma_semaphore, #tpu.memory_space<semaphore_mem>>) src(%arg17 : memref<80x16xf32, #tpu.memory_space<vmem>>) dst(%dma_wait3A_53 : memref<10240x16xf32, #tpu.memory_space<vmem_shared>>)
    %barrier3A_54 = arith.constant 0 : index
    tpu.barrier barrier_id(%barrier3A_54)
    %mul3A_55 = arith.constant 640 : i32
    %mul3A_56 = arith.muli %arg1, %mul3A_55 : i32
    %mul3A_57 = arith.constant 640 : i32
    %mul3A_58 = arith.muli %arg1, %mul3A_57 : i32
    "tpu.region"() ({
      %run_scoped3A = tpu.sem_alloc : memref<!tpu.dma_semaphore, #tpu.memory_space<semaphore_mem>>
      %dma_start3A_63 = arith.constant 0 : i32
      %dma_start3A_64 = tpu.memref_slice %arg9[%arg0, %mul3A_58, %dma_start3A_63] : memref<2x10240x128xf32, #tpu.memory_space<hbm>> -> memref<1x640x128xf32, #tpu.memory_space<hbm>>
      %dma_start3A_65 = tpu.memref_squeeze %dma_start3A_64 : memref<1x640x128xf32, #tpu.memory_space<hbm>> -> memref<640x128xf32, #tpu.memory_space<hbm>>
      %dma_start3A_66 = arith.constant 0 : i32
      %dma_start3A_67 = tpu.memref_slice %arg23[%mul3A_56, %dma_start3A_66] : memref<10240x128xf32, #tpu.memory_space<vmem_shared>> -> memref<640x128xf32, #tpu.memory_space<vmem_shared>>
      tpu.enqueue_dma source(%dma_start3A_67 : memref<640x128xf32, #tpu.memory_space<vmem_shared>>) target(%dma_start3A_65 : memref<640x128xf32, #tpu.memory_space<hbm>>) target_semaphore(%run_scoped3A : memref<!tpu.dma_semaphore, #tpu.memory_space<semaphore_mem>>)
      %dma_wait3A_68 = arith.constant 0 : i32
      %dma_wait3A_69 = tpu.memref_slice %arg9[%arg0, %mul3A_58, %dma_wait3A_68] : memref<2x10240x128xf32, #tpu.memory_space<hbm>> -> memref<1x640x128xf32, #tpu.memory_space<hbm>>
      %dma_wait3A_70 = tpu.memref_squeeze %dma_wait3A_69 : memref<1x640x128xf32, #tpu.memory_space<hbm>> -> memref<640x128xf32, #tpu.memory_space<hbm>>
      %dma_wait3A_71 = arith.constant 0 : i32
      %dma_wait3A_72 = tpu.memref_slice %arg23[%mul3A_56, %dma_wait3A_71] : memref<10240x128xf32, #tpu.memory_space<vmem_shared>> -> memref<640x128xf32, #tpu.memory_space<vmem_shared>>
      tpu.wait_dma2 semaphore(%run_scoped3A : memref<!tpu.dma_semaphore, #tpu.memory_space<semaphore_mem>>) src(%dma_wait3A_72 : memref<640x128xf32, #tpu.memory_space<vmem_shared>>) dst(%dma_wait3A_70 : memref<640x128xf32, #tpu.memory_space<hbm>>)
      tpu.yield
    }) : () -> ()
    %mul3A_59 = arith.constant 640 : i32
    %mul3A_60 = arith.muli %arg1, %mul3A_59 : i32
    %mul3A_61 = arith.constant 640 : i32
    %mul3A_62 = arith.muli %arg1, %mul3A_61 : i32
    "tpu.region"() ({
      %run_scoped3A = tpu.sem_alloc : memref<!tpu.dma_semaphore, #tpu.memory_space<semaphore_mem>>
      %dma_start3A_63 = arith.constant 0 : i32
      %dma_start3A_64 = tpu.memref_slice %arg10[%arg0, %mul3A_62, %dma_start3A_63] : memref<2x10240x16xf32, #tpu.memory_space<hbm>> -> memref<1x640x16xf32, #tpu.memory_space<hbm>>
      %dma_start3A_65 = tpu.memref_squeeze %dma_start3A_64 : memref<1x640x16xf32, #tpu.memory_space<hbm>> -> memref<640x16xf32, #tpu.memory_space<hbm>>
      %dma_start3A_66 = arith.constant 0 : i32
      %dma_start3A_67 = tpu.memref_slice %arg24[%mul3A_60, %dma_start3A_66] : memref<10240x16xf32, #tpu.memory_space<vmem_shared>> -> memref<640x16xf32, #tpu.memory_space<vmem_shared>>
      tpu.enqueue_dma source(%dma_start3A_67 : memref<640x16xf32, #tpu.memory_space<vmem_shared>>) target(%dma_start3A_65 : memref<640x16xf32, #tpu.memory_space<hbm>>) target_semaphore(%run_scoped3A : memref<!tpu.dma_semaphore, #tpu.memory_space<semaphore_mem>>)
      %dma_wait3A_68 = arith.constant 0 : i32
      %dma_wait3A_69 = tpu.memref_slice %arg10[%arg0, %mul3A_62, %dma_wait3A_68] : memref<2x10240x16xf32, #tpu.memory_space<hbm>> -> memref<1x640x16xf32, #tpu.memory_space<hbm>>
      %dma_wait3A_70 = tpu.memref_squeeze %dma_wait3A_69 : memref<1x640x16xf32, #tpu.memory_space<hbm>> -> memref<640x16xf32, #tpu.memory_space<hbm>>
      %dma_wait3A_71 = arith.constant 0 : i32
      %dma_wait3A_72 = tpu.memref_slice %arg24[%mul3A_60, %dma_wait3A_71] : memref<10240x16xf32, #tpu.memory_space<vmem_shared>> -> memref<640x16xf32, #tpu.memory_space<vmem_shared>>
      tpu.wait_dma2 semaphore(%run_scoped3A : memref<!tpu.dma_semaphore, #tpu.memory_space<semaphore_mem>>) src(%dma_wait3A_72 : memref<640x16xf32, #tpu.memory_space<vmem_shared>>) dst(%dma_wait3A_70 : memref<640x16xf32, #tpu.memory_space<hbm>>)
      tpu.yield
    }) : () -> ()
    return
  }
}

#map = affine_map<(d0, d1) -> (0, 0)>
#map1 = affine_map<(d0, d1) -> (0)>
#map2 = affine_map<(d0, d1) -> (0, 0, 0)>
module attributes {stable_mosaic.version = 14 : i64} {
  func.func @_k4_body(%arg0: i32, %arg1: i32, %arg2: memref<10000x128xf32, #tpu.memory_space<hbm>>, %arg3: memref<320000xi32, #tpu.memory_space<hbm>>, %arg4: memref<320000xi32, #tpu.memory_space<hbm>>, %arg5: memref<640x128xf32, #tpu.memory_space<hbm>>, %arg6: memref<2x10240x128xf32, #tpu.memory_space<hbm>>, %arg7: memref<80xi32, #tpu.memory_space<vmem>>, %arg8: memref<80xi32, #tpu.memory_space<vmem>>, %arg9: memref<80xi32, #tpu.memory_space<vmem>>, %arg10: memref<80xi32, #tpu.memory_space<vmem>>, %arg11: memref<80x128xf32, #tpu.memory_space<vmem>>, %arg12: memref<80x128xf32, #tpu.memory_space<vmem>>, %arg13: memref<10240x128xf32, #tpu.memory_space<vmem_shared>>, %arg14: memref<!tpu.dma_semaphore, #tpu.memory_space<semaphore_mem>>, %arg15: memref<!tpu.dma_semaphore, #tpu.memory_space<semaphore_mem>>, %arg16: memref<!tpu.dma_semaphore, #tpu.memory_space<semaphore_mem>>, %arg17: memref<!tpu.dma_semaphore, #tpu.memory_space<semaphore_mem>>) attributes {dimension_semantics = [#tpu.dimension_semantics<core_parallel>, #tpu.dimension_semantics<subcore_parallel>], iteration_bounds = array<i64: 2, 16>, scalar_prefetch = 0 : i64, scratch_operands = 11 : i64, tpu.core_type = #tpu.core_type<sc_vector_subcore>, window_params = [{transform_indices = #map}, {transform_indices = #map1}, {transform_indices = #map1}, {transform_indices = #map}, {transform_indices = #map2}]} {
    %mul3A = arith.constant 16 : i32
    %mul3A_0 = arith.muli %arg0, %mul3A : i32
    %add3A = arith.addi %mul3A_0, %arg1 : i32
    %mul3A_1 = arith.constant 640 : i32
    %mul3A_2 = arith.muli %arg1, %mul3A_1 : i32
    "tpu.region"() ({
      %run_scoped3A = tpu.sem_alloc : memref<!tpu.dma_semaphore, #tpu.memory_space<semaphore_mem>>
      %dma_start3A_30 = arith.constant 0 : i32
      %dma_start3A_31 = tpu.memref_slice %arg13[%mul3A_2, %dma_start3A_30] : memref<10240x128xf32, #tpu.memory_space<vmem_shared>> -> memref<640x128xf32, #tpu.memory_space<vmem_shared>>
      %dma_start3A_32 = arith.constant 0 : i32
      %dma_start3A_33 = arith.constant 0 : i32
      %dma_start3A_34 = tpu.memref_slice %arg5[%dma_start3A_32, %dma_start3A_33] : memref<640x128xf32, #tpu.memory_space<hbm>> -> memref<640x128xf32, #tpu.memory_space<hbm>>
      tpu.enqueue_dma source(%dma_start3A_34 : memref<640x128xf32, #tpu.memory_space<hbm>>) target(%dma_start3A_31 : memref<640x128xf32, #tpu.memory_space<vmem_shared>>) target_semaphore(%run_scoped3A : memref<!tpu.dma_semaphore, #tpu.memory_space<semaphore_mem>>)
      %dma_wait3A_35 = arith.constant 0 : i32
      %dma_wait3A_36 = tpu.memref_slice %arg13[%mul3A_2, %dma_wait3A_35] : memref<10240x128xf32, #tpu.memory_space<vmem_shared>> -> memref<640x128xf32, #tpu.memory_space<vmem_shared>>
      %dma_wait3A_37 = arith.constant 0 : i32
      %dma_wait3A_38 = arith.constant 0 : i32
      %dma_wait3A_39 = tpu.memref_slice %arg5[%dma_wait3A_37, %dma_wait3A_38] : memref<640x128xf32, #tpu.memory_space<hbm>> -> memref<640x128xf32, #tpu.memory_space<hbm>>
      tpu.wait_dma2 semaphore(%run_scoped3A : memref<!tpu.dma_semaphore, #tpu.memory_space<semaphore_mem>>) src(%dma_wait3A_39 : memref<640x128xf32, #tpu.memory_space<hbm>>) dst(%dma_wait3A_36 : memref<640x128xf32, #tpu.memory_space<vmem_shared>>)
      tpu.yield
    }) : () -> ()
    %barrier3A = arith.constant 0 : index
    tpu.barrier barrier_id(%barrier3A)
    %mul3A_3 = arith.constant 10000 : i32
    %mul3A_4 = arith.muli %add3A, %mul3A_3 : i32
    %add3A_5 = arith.constant 0 : i32
    %add3A_6 = arith.addi %mul3A_4, %add3A_5 : i32
    "tpu.region"() ({
      %run_scoped3A = tpu.sem_alloc : memref<!tpu.dma_semaphore, #tpu.memory_space<semaphore_mem>>
      %dma_start3A_30 = tpu.memref_slice %arg3[%add3A_6] : memref<320000xi32, #tpu.memory_space<hbm>> -> memref<80xi32, #tpu.memory_space<hbm>>
      %dma_start3A_31 = tpu.memref_slice %arg3[%add3A_6] : memref<320000xi32, #tpu.memory_space<hbm>> -> memref<80xi32, #tpu.memory_space<hbm>>
      tpu.enqueue_dma source(%dma_start3A_31 : memref<80xi32, #tpu.memory_space<hbm>>) target(%arg7 : memref<80xi32, #tpu.memory_space<vmem>>) target_semaphore(%run_scoped3A : memref<!tpu.dma_semaphore, #tpu.memory_space<semaphore_mem>>)
      %dma_wait3A_32 = tpu.memref_slice %arg3[%add3A_6] : memref<320000xi32, #tpu.memory_space<hbm>> -> memref<80xi32, #tpu.memory_space<hbm>>
      %dma_wait3A_33 = tpu.memref_slice %arg3[%add3A_6] : memref<320000xi32, #tpu.memory_space<hbm>> -> memref<80xi32, #tpu.memory_space<hbm>>
      tpu.wait_dma2 semaphore(%run_scoped3A : memref<!tpu.dma_semaphore, #tpu.memory_space<semaphore_mem>>) src(%dma_wait3A_33 : memref<80xi32, #tpu.memory_space<hbm>>) dst(%arg7 : memref<80xi32, #tpu.memory_space<vmem>>)
      tpu.yield
    }) : () -> ()
    "tpu.region"() ({
      %run_scoped3A = tpu.sem_alloc : memref<!tpu.dma_semaphore, #tpu.memory_space<semaphore_mem>>
      %dma_start3A_30 = tpu.memref_slice %arg4[%add3A_6] : memref<320000xi32, #tpu.memory_space<hbm>> -> memref<80xi32, #tpu.memory_space<hbm>>
      %dma_start3A_31 = tpu.memref_slice %arg4[%add3A_6] : memref<320000xi32, #tpu.memory_space<hbm>> -> memref<80xi32, #tpu.memory_space<hbm>>
      tpu.enqueue_dma source(%dma_start3A_31 : memref<80xi32, #tpu.memory_space<hbm>>) target(%arg9 : memref<80xi32, #tpu.memory_space<vmem>>) target_semaphore(%run_scoped3A : memref<!tpu.dma_semaphore, #tpu.memory_space<semaphore_mem>>)
      %dma_wait3A_32 = tpu.memref_slice %arg4[%add3A_6] : memref<320000xi32, #tpu.memory_space<hbm>> -> memref<80xi32, #tpu.memory_space<hbm>>
      %dma_wait3A_33 = tpu.memref_slice %arg4[%add3A_6] : memref<320000xi32, #tpu.memory_space<hbm>> -> memref<80xi32, #tpu.memory_space<hbm>>
      tpu.wait_dma2 semaphore(%run_scoped3A : memref<!tpu.dma_semaphore, #tpu.memory_space<semaphore_mem>>) src(%dma_wait3A_33 : memref<80xi32, #tpu.memory_space<hbm>>) dst(%arg9 : memref<80xi32, #tpu.memory_space<vmem>>)
      tpu.yield
    }) : () -> ()
    %dma_start3A = arith.constant 0 : i32
    %dma_start3A_7 = arith.constant 0 : i32
    %dma_start3A_8 = tpu.memref_slice %arg2[%dma_start3A, %dma_start3A_7] : memref<10000x128xf32, #tpu.memory_space<hbm>> -> memref<10000x128xf32, #tpu.memory_space<hbm>>
    tpu.enqueue_indirect_dma source(%dma_start3A_8 : memref<10000x128xf32, #tpu.memory_space<hbm>>) target(%arg11 : memref<80x128xf32, #tpu.memory_space<vmem>>) offsets(%arg7 : memref<80xi32, #tpu.memory_space<vmem>>) semaphore(%arg14 : memref<!tpu.dma_semaphore, #tpu.memory_space<semaphore_mem>>)
    %scan3A = arith.constant 0 : i32
    %scan3A_9 = arith.constant 0 : i32
    %scan3A_10 = arith.constant 62 : i32
    %scan3A_11 = arith.addi %scan3A_9, %scan3A_10 : i32
    %scan3A_12 = arith.constant 1 : i32
    scf.for %scan3A_30 = %scan3A_9 to %scan3A_11 step %scan3A_12  : i32 {
      %mul3A_31 = arith.constant 2 : i32
      %mul3A_32 = arith.muli %mul3A_31, %scan3A_30 : i32
      %add3A_33 = arith.constant 0 : i32
      %add3A_34 = arith.addi %mul3A_32, %add3A_33 : i32
      %gt3A = arith.constant 0 : i32
      %gt3A_35 = arith.cmpi sgt, %scan3A_30, %gt3A : i32
      %convert_element_type3A = arith.extui %gt3A_35 : i1 to i32
      %cond3A = arith.constant 0 : i32
      %cond3A_36 = arith.cmpi ne, %convert_element_type3A, %cond3A : i32
      scf.if %cond3A_36 {
        %dma_wait3A_72 = arith.constant 0 : i32
        %dma_wait3A_73 = arith.constant 0 : i32
        %dma_wait3A_74 = tpu.memref_slice %arg13[%dma_wait3A_72, %dma_wait3A_73] : memref<10240x128xf32, #tpu.memory_space<vmem_shared>> -> memref<10240x128xf32, #tpu.memory_space<vmem_shared>>
        tpu.wait_indirect_dma semaphore(%arg17 : memref<!tpu.dma_semaphore, #tpu.memory_space<semaphore_mem>>) src(%arg12 : memref<80x128xf32, #tpu.memory_space<vmem>>) dst(%dma_wait3A_74 : memref<10240x128xf32, #tpu.memory_space<vmem_shared>>)
      } else {
      }
      %add3A_37 = arith.constant 1 : i32
      %add3A_38 = arith.addi %add3A_34, %add3A_37 : i32
      %mul3A_39 = arith.constant 80 : i32
      %mul3A_40 = arith.muli %add3A_38, %mul3A_39 : i32
      %add3A_41 = arith.addi %mul3A_4, %mul3A_40 : i32
      "tpu.region"() ({
        %run_scoped3A = tpu.sem_alloc : memref<!tpu.dma_semaphore, #tpu.memory_space<semaphore_mem>>
        %dma_start3A_72 = tpu.memref_slice %arg3[%add3A_41] : memref<320000xi32, #tpu.memory_space<hbm>> -> memref<80xi32, #tpu.memory_space<hbm>>
        %dma_start3A_73 = tpu.memref_slice %arg3[%add3A_41] : memref<320000xi32, #tpu.memory_space<hbm>> -> memref<80xi32, #tpu.memory_space<hbm>>
        tpu.enqueue_dma source(%dma_start3A_73 : memref<80xi32, #tpu.memory_space<hbm>>) target(%arg8 : memref<80xi32, #tpu.memory_space<vmem>>) target_semaphore(%run_scoped3A : memref<!tpu.dma_semaphore, #tpu.memory_space<semaphore_mem>>)
        %dma_wait3A_74 = tpu.memref_slice %arg3[%add3A_41] : memref<320000xi32, #tpu.memory_space<hbm>> -> memref<80xi32, #tpu.memory_space<hbm>>
        %dma_wait3A_75 = tpu.memref_slice %arg3[%add3A_41] : memref<320000xi32, #tpu.memory_space<hbm>> -> memref<80xi32, #tpu.memory_space<hbm>>
        tpu.wait_dma2 semaphore(%run_scoped3A : memref<!tpu.dma_semaphore, #tpu.memory_space<semaphore_mem>>) src(%dma_wait3A_75 : memref<80xi32, #tpu.memory_space<hbm>>) dst(%arg8 : memref<80xi32, #tpu.memory_space<vmem>>)
        tpu.yield
      }) : () -> ()
      "tpu.region"() ({
        %run_scoped3A = tpu.sem_alloc : memref<!tpu.dma_semaphore, #tpu.memory_space<semaphore_mem>>
        %dma_start3A_72 = tpu.memref_slice %arg4[%add3A_41] : memref<320000xi32, #tpu.memory_space<hbm>> -> memref<80xi32, #tpu.memory_space<hbm>>
        %dma_start3A_73 = tpu.memref_slice %arg4[%add3A_41] : memref<320000xi32, #tpu.memory_space<hbm>> -> memref<80xi32, #tpu.memory_space<hbm>>
        tpu.enqueue_dma source(%dma_start3A_73 : memref<80xi32, #tpu.memory_space<hbm>>) target(%arg10 : memref<80xi32, #tpu.memory_space<vmem>>) target_semaphore(%run_scoped3A : memref<!tpu.dma_semaphore, #tpu.memory_space<semaphore_mem>>)
        %dma_wait3A_74 = tpu.memref_slice %arg4[%add3A_41] : memref<320000xi32, #tpu.memory_space<hbm>> -> memref<80xi32, #tpu.memory_space<hbm>>
        %dma_wait3A_75 = tpu.memref_slice %arg4[%add3A_41] : memref<320000xi32, #tpu.memory_space<hbm>> -> memref<80xi32, #tpu.memory_space<hbm>>
        tpu.wait_dma2 semaphore(%run_scoped3A : memref<!tpu.dma_semaphore, #tpu.memory_space<semaphore_mem>>) src(%dma_wait3A_75 : memref<80xi32, #tpu.memory_space<hbm>>) dst(%arg10 : memref<80xi32, #tpu.memory_space<vmem>>)
        tpu.yield
      }) : () -> ()
      %dma_start3A_42 = arith.constant 0 : i32
      %dma_start3A_43 = arith.constant 0 : i32
      %dma_start3A_44 = tpu.memref_slice %arg2[%dma_start3A_42, %dma_start3A_43] : memref<10000x128xf32, #tpu.memory_space<hbm>> -> memref<10000x128xf32, #tpu.memory_space<hbm>>
      tpu.enqueue_indirect_dma source(%dma_start3A_44 : memref<10000x128xf32, #tpu.memory_space<hbm>>) target(%arg12 : memref<80x128xf32, #tpu.memory_space<vmem>>) offsets(%arg8 : memref<80xi32, #tpu.memory_space<vmem>>) semaphore(%arg15 : memref<!tpu.dma_semaphore, #tpu.memory_space<semaphore_mem>>)
      %dma_wait3A_45 = arith.constant 0 : i32
      %dma_wait3A_46 = arith.constant 0 : i32
      %dma_wait3A_47 = tpu.memref_slice %arg2[%dma_wait3A_45, %dma_wait3A_46] : memref<10000x128xf32, #tpu.memory_space<hbm>> -> memref<10000x128xf32, #tpu.memory_space<hbm>>
      tpu.wait_indirect_dma semaphore(%arg14 : memref<!tpu.dma_semaphore, #tpu.memory_space<semaphore_mem>>) src(%dma_wait3A_47 : memref<10000x128xf32, #tpu.memory_space<hbm>>) dst(%arg11 : memref<80x128xf32, #tpu.memory_space<vmem>>)
      %dma_start3A_48 = arith.constant 0 : i32
      %dma_start3A_49 = arith.constant 0 : i32
      %dma_start3A_50 = tpu.memref_slice %arg13[%dma_start3A_48, %dma_start3A_49] : memref<10240x128xf32, #tpu.memory_space<vmem_shared>> -> memref<10240x128xf32, #tpu.memory_space<vmem_shared>>
      tpu.enqueue_indirect_dma source(%arg11 : memref<80x128xf32, #tpu.memory_space<vmem>>) target(%dma_start3A_50 : memref<10240x128xf32, #tpu.memory_space<vmem_shared>>) offsets(%arg9 : memref<80xi32, #tpu.memory_space<vmem>>) semaphore(%arg16 : memref<!tpu.dma_semaphore, #tpu.memory_space<semaphore_mem>>) {add = true}
      %mul3A_51 = arith.constant 2 : i32
      %mul3A_52 = arith.muli %mul3A_51, %scan3A_30 : i32
      %add3A_53 = arith.constant 1 : i32
      %add3A_54 = arith.addi %mul3A_52, %add3A_53 : i32
      %dma_wait3A_55 = arith.constant 0 : i32
      %dma_wait3A_56 = arith.constant 0 : i32
      %dma_wait3A_57 = tpu.memref_slice %arg13[%dma_wait3A_55, %dma_wait3A_56] : memref<10240x128xf32, #tpu.memory_space<vmem_shared>> -> memref<10240x128xf32, #tpu.memory_space<vmem_shared>>
      tpu.wait_indirect_dma semaphore(%arg16 : memref<!tpu.dma_semaphore, #tpu.memory_space<semaphore_mem>>) src(%arg11 : memref<80x128xf32, #tpu.memory_space<vmem>>) dst(%dma_wait3A_57 : memref<10240x128xf32, #tpu.memory_space<vmem_shared>>)
      %add3A_58 = arith.constant 1 : i32
      %add3A_59 = arith.addi %add3A_54, %add3A_58 : i32
      %mul3A_60 = arith.constant 80 : i32
      %mul3A_61 = arith.muli %add3A_59, %mul3A_60 : i32
      %add3A_62 = arith.addi %mul3A_4, %mul3A_61 : i32
      "tpu.region"() ({
        %run_scoped3A = tpu.sem_alloc : memref<!tpu.dma_semaphore, #tpu.memory_space<semaphore_mem>>
        %dma_start3A_72 = tpu.memref_slice %arg3[%add3A_62] : memref<320000xi32, #tpu.memory_space<hbm>> -> memref<80xi32, #tpu.memory_space<hbm>>
        %dma_start3A_73 = tpu.memref_slice %arg3[%add3A_62] : memref<320000xi32, #tpu.memory_space<hbm>> -> memref<80xi32, #tpu.memory_space<hbm>>
        tpu.enqueue_dma source(%dma_start3A_73 : memref<80xi32, #tpu.memory_space<hbm>>) target(%arg7 : memref<80xi32, #tpu.memory_space<vmem>>) target_semaphore(%run_scoped3A : memref<!tpu.dma_semaphore, #tpu.memory_space<semaphore_mem>>)
        %dma_wait3A_74 = tpu.memref_slice %arg3[%add3A_62] : memref<320000xi32, #tpu.memory_space<hbm>> -> memref<80xi32, #tpu.memory_space<hbm>>
        %dma_wait3A_75 = tpu.memref_slice %arg3[%add3A_62] : memref<320000xi32, #tpu.memory_space<hbm>> -> memref<80xi32, #tpu.memory_space<hbm>>
        tpu.wait_dma2 semaphore(%run_scoped3A : memref<!tpu.dma_semaphore, #tpu.memory_space<semaphore_mem>>) src(%dma_wait3A_75 : memref<80xi32, #tpu.memory_space<hbm>>) dst(%arg7 : memref<80xi32, #tpu.memory_space<vmem>>)
        tpu.yield
      }) : () -> ()
      "tpu.region"() ({
        %run_scoped3A = tpu.sem_alloc : memref<!tpu.dma_semaphore, #tpu.memory_space<semaphore_mem>>
        %dma_start3A_72 = tpu.memref_slice %arg4[%add3A_62] : memref<320000xi32, #tpu.memory_space<hbm>> -> memref<80xi32, #tpu.memory_space<hbm>>
        %dma_start3A_73 = tpu.memref_slice %arg4[%add3A_62] : memref<320000xi32, #tpu.memory_space<hbm>> -> memref<80xi32, #tpu.memory_space<hbm>>
        tpu.enqueue_dma source(%dma_start3A_73 : memref<80xi32, #tpu.memory_space<hbm>>) target(%arg9 : memref<80xi32, #tpu.memory_space<vmem>>) target_semaphore(%run_scoped3A : memref<!tpu.dma_semaphore, #tpu.memory_space<semaphore_mem>>)
        %dma_wait3A_74 = tpu.memref_slice %arg4[%add3A_62] : memref<320000xi32, #tpu.memory_space<hbm>> -> memref<80xi32, #tpu.memory_space<hbm>>
        %dma_wait3A_75 = tpu.memref_slice %arg4[%add3A_62] : memref<320000xi32, #tpu.memory_space<hbm>> -> memref<80xi32, #tpu.memory_space<hbm>>
        tpu.wait_dma2 semaphore(%run_scoped3A : memref<!tpu.dma_semaphore, #tpu.memory_space<semaphore_mem>>) src(%dma_wait3A_75 : memref<80xi32, #tpu.memory_space<hbm>>) dst(%arg9 : memref<80xi32, #tpu.memory_space<vmem>>)
        tpu.yield
      }) : () -> ()
      %dma_start3A_63 = arith.constant 0 : i32
      %dma_start3A_64 = arith.constant 0 : i32
      %dma_start3A_65 = tpu.memref_slice %arg2[%dma_start3A_63, %dma_start3A_64] : memref<10000x128xf32, #tpu.memory_space<hbm>> -> memref<10000x128xf32, #tpu.memory_space<hbm>>
      tpu.enqueue_indirect_dma source(%dma_start3A_65 : memref<10000x128xf32, #tpu.memory_space<hbm>>) target(%arg11 : memref<80x128xf32, #tpu.memory_space<vmem>>) offsets(%arg7 : memref<80xi32, #tpu.memory_space<vmem>>) semaphore(%arg14 : memref<!tpu.dma_semaphore, #tpu.memory_space<semaphore_mem>>)
      %dma_wait3A_66 = arith.constant 0 : i32
      %dma_wait3A_67 = arith.constant 0 : i32
      %dma_wait3A_68 = tpu.memref_slice %arg2[%dma_wait3A_66, %dma_wait3A_67] : memref<10000x128xf32, #tpu.memory_space<hbm>> -> memref<10000x128xf32, #tpu.memory_space<hbm>>
      tpu.wait_indirect_dma semaphore(%arg15 : memref<!tpu.dma_semaphore, #tpu.memory_space<semaphore_mem>>) src(%dma_wait3A_68 : memref<10000x128xf32, #tpu.memory_space<hbm>>) dst(%arg12 : memref<80x128xf32, #tpu.memory_space<vmem>>)
      %dma_start3A_69 = arith.constant 0 : i32
      %dma_start3A_70 = arith.constant 0 : i32
      %dma_start3A_71 = tpu.memref_slice %arg13[%dma_start3A_69, %dma_start3A_70] : memref<10240x128xf32, #tpu.memory_space<vmem_shared>> -> memref<10240x128xf32, #tpu.memory_space<vmem_shared>>
      tpu.enqueue_indirect_dma source(%arg12 : memref<80x128xf32, #tpu.memory_space<vmem>>) target(%dma_start3A_71 : memref<10240x128xf32, #tpu.memory_space<vmem_shared>>) offsets(%arg10 : memref<80xi32, #tpu.memory_space<vmem>>) semaphore(%arg17 : memref<!tpu.dma_semaphore, #tpu.memory_space<semaphore_mem>>) {add = true}
    }
    %scan3A_13 = arith.constant 62 : i32
    %dma_wait3A = arith.constant 0 : i32
    %dma_wait3A_14 = arith.constant 0 : i32
    %dma_wait3A_15 = tpu.memref_slice %arg13[%dma_wait3A, %dma_wait3A_14] : memref<10240x128xf32, #tpu.memory_space<vmem_shared>> -> memref<10240x128xf32, #tpu.memory_space<vmem_shared>>
    tpu.wait_indirect_dma semaphore(%arg17 : memref<!tpu.dma_semaphore, #tpu.memory_space<semaphore_mem>>) src(%arg12 : memref<80x128xf32, #tpu.memory_space<vmem>>) dst(%dma_wait3A_15 : memref<10240x128xf32, #tpu.memory_space<vmem_shared>>)
    %dma_wait3A_16 = arith.constant 0 : i32
    %dma_wait3A_17 = arith.constant 0 : i32
    %dma_wait3A_18 = tpu.memref_slice %arg2[%dma_wait3A_16, %dma_wait3A_17] : memref<10000x128xf32, #tpu.memory_space<hbm>> -> memref<10000x128xf32, #tpu.memory_space<hbm>>
    tpu.wait_indirect_dma semaphore(%arg14 : memref<!tpu.dma_semaphore, #tpu.memory_space<semaphore_mem>>) src(%dma_wait3A_18 : memref<10000x128xf32, #tpu.memory_space<hbm>>) dst(%arg11 : memref<80x128xf32, #tpu.memory_space<vmem>>)
    %dma_start3A_19 = arith.constant 0 : i32
    %dma_start3A_20 = arith.constant 0 : i32
    %dma_start3A_21 = tpu.memref_slice %arg13[%dma_start3A_19, %dma_start3A_20] : memref<10240x128xf32, #tpu.memory_space<vmem_shared>> -> memref<10240x128xf32, #tpu.memory_space<vmem_shared>>
    tpu.enqueue_indirect_dma source(%arg11 : memref<80x128xf32, #tpu.memory_space<vmem>>) target(%dma_start3A_21 : memref<10240x128xf32, #tpu.memory_space<vmem_shared>>) offsets(%arg9 : memref<80xi32, #tpu.memory_space<vmem>>) semaphore(%arg16 : memref<!tpu.dma_semaphore, #tpu.memory_space<semaphore_mem>>) {add = true}
    %dma_wait3A_22 = arith.constant 0 : i32
    %dma_wait3A_23 = arith.constant 0 : i32
    %dma_wait3A_24 = tpu.memref_slice %arg13[%dma_wait3A_22, %dma_wait3A_23] : memref<10240x128xf32, #tpu.memory_space<vmem_shared>> -> memref<10240x128xf32, #tpu.memory_space<vmem_shared>>
    tpu.wait_indirect_dma semaphore(%arg16 : memref<!tpu.dma_semaphore, #tpu.memory_space<semaphore_mem>>) src(%arg11 : memref<80x128xf32, #tpu.memory_space<vmem>>) dst(%dma_wait3A_24 : memref<10240x128xf32, #tpu.memory_space<vmem_shared>>)
    %barrier3A_25 = arith.constant 0 : index
    tpu.barrier barrier_id(%barrier3A_25)
    %mul3A_26 = arith.constant 640 : i32
    %mul3A_27 = arith.muli %arg1, %mul3A_26 : i32
    %mul3A_28 = arith.constant 640 : i32
    %mul3A_29 = arith.muli %arg1, %mul3A_28 : i32
    "tpu.region"() ({
      %run_scoped3A = tpu.sem_alloc : memref<!tpu.dma_semaphore, #tpu.memory_space<semaphore_mem>>
      %dma_start3A_30 = arith.constant 0 : i32
      %dma_start3A_31 = tpu.memref_slice %arg6[%arg0, %mul3A_29, %dma_start3A_30] : memref<2x10240x128xf32, #tpu.memory_space<hbm>> -> memref<1x640x128xf32, #tpu.memory_space<hbm>>
      %dma_start3A_32 = tpu.memref_squeeze %dma_start3A_31 : memref<1x640x128xf32, #tpu.memory_space<hbm>> -> memref<640x128xf32, #tpu.memory_space<hbm>>
      %dma_start3A_33 = arith.constant 0 : i32
      %dma_start3A_34 = tpu.memref_slice %arg13[%mul3A_27, %dma_start3A_33] : memref<10240x128xf32, #tpu.memory_space<vmem_shared>> -> memref<640x128xf32, #tpu.memory_space<vmem_shared>>
      tpu.enqueue_dma source(%dma_start3A_34 : memref<640x128xf32, #tpu.memory_space<vmem_shared>>) target(%dma_start3A_32 : memref<640x128xf32, #tpu.memory_space<hbm>>) target_semaphore(%run_scoped3A : memref<!tpu.dma_semaphore, #tpu.memory_space<semaphore_mem>>)
      %dma_wait3A_35 = arith.constant 0 : i32
      %dma_wait3A_36 = tpu.memref_slice %arg6[%arg0, %mul3A_29, %dma_wait3A_35] : memref<2x10240x128xf32, #tpu.memory_space<hbm>> -> memref<1x640x128xf32, #tpu.memory_space<hbm>>
      %dma_wait3A_37 = tpu.memref_squeeze %dma_wait3A_36 : memref<1x640x128xf32, #tpu.memory_space<hbm>> -> memref<640x128xf32, #tpu.memory_space<hbm>>
      %dma_wait3A_38 = arith.constant 0 : i32
      %dma_wait3A_39 = tpu.memref_slice %arg13[%mul3A_27, %dma_wait3A_38] : memref<10240x128xf32, #tpu.memory_space<vmem_shared>> -> memref<640x128xf32, #tpu.memory_space<vmem_shared>>
      tpu.wait_dma2 semaphore(%run_scoped3A : memref<!tpu.dma_semaphore, #tpu.memory_space<semaphore_mem>>) src(%dma_wait3A_39 : memref<640x128xf32, #tpu.memory_space<vmem_shared>>) dst(%dma_wait3A_37 : memref<640x128xf32, #tpu.memory_space<hbm>>)
      tpu.yield
    }) : () -> ()
    return
  }
}

module attributes {stable_mosaic.version = 14 : i64} {
  func.func @_k1_body(%arg0: i32, %arg1: memref<400x128xf32, #tpu.memory_space<vmem>>, %arg2: memref<128x128xf32, #tpu.memory_space<vmem>>, %arg3: memref<4x128xf32, #tpu.memory_space<vmem>>, %arg4: memref<400x128xf32, #tpu.memory_space<vmem>>, %arg5: memref<400x8xf32, #tpu.memory_space<vmem>>) attributes {dimension_semantics = [#tpu.dimension_semantics<arbitrary>], iteration_bounds = array<i64: 25>, scalar_prefetch = 0 : i64, scratch_operands = 0 : i64, tpu.core_type = #tpu.core_type<tc>, window_params = [{transform_indices = @transform_0, window_bounds = array<i64: 400, 128>}, {pipeline_mode = #tpu.pipeline_mode<synchronous>, transform_indices = @transform_1, window_bounds = array<i64: 128, 128>}, {pipeline_mode = #tpu.pipeline_mode<synchronous>, transform_indices = @transform_2, window_bounds = array<i64: 4, 128>}, {transform_indices = @transform_3, window_bounds = array<i64: 400, 128>}, {transform_indices = @transform_4, window_bounds = array<i64: 400, 8>}]} {
    %get3A = arith.constant 0 : index
    %get3A_0 = arith.constant 0 : index
    %get3A_1 = vector.load %arg1[%get3A, %get3A_0] : memref<400x128xf32, #tpu.memory_space<vmem>>, vector<400x128xf32>
    %bitcast_convert_type3A = tpu.bitcast %get3A_1 : vector<400x128xf32> -> vector<400x128xi32>
    %add3A = arith.constant 32767 : i32
    %add3A_2 = vector.broadcast %add3A : i32 to vector<400x128xi32>
    %add3A_3 = arith.addi %bitcast_convert_type3A, %add3A_2 : vector<400x128xi32>
    %shift_right_logical3A = arith.constant 16 : i32
    %shift_right_logical3A_4 = vector.broadcast %shift_right_logical3A : i32 to vector<400x128xi32>
    %shift_right_logical3A_5 = arith.shrui %bitcast_convert_type3A, %shift_right_logical3A_4 : vector<400x128xi32>
    %and3A = arith.constant 1 : i32
    %and3A_6 = vector.broadcast %and3A : i32 to vector<400x128xi32>
    %and3A_7 = arith.andi %shift_right_logical3A_5, %and3A_6 : vector<400x128xi32>
    %add3A_8 = arith.addi %add3A_3, %and3A_7 : vector<400x128xi32>
    %and3A_9 = arith.constant -65536 : i32
    %and3A_10 = vector.broadcast %and3A_9 : i32 to vector<400x128xi32>
    %and3A_11 = arith.andi %add3A_8, %and3A_10 : vector<400x128xi32>
    %bitcast_convert_type3A_12 = tpu.bitcast %and3A_11 : vector<400x128xi32> -> vector<400x128xf32>
    %get3A_13 = arith.constant 0 : index
    %get3A_14 = arith.constant 0 : index
    %get3A_15 = vector.load %arg2[%get3A_13, %get3A_14] : memref<128x128xf32, #tpu.memory_space<vmem>>, vector<128x128xf32>
    %bitcast_convert_type3A_16 = tpu.bitcast %get3A_15 : vector<128x128xf32> -> vector<128x128xi32>
    %add3A_17 = arith.constant 32767 : i32
    %add3A_18 = vector.broadcast %add3A_17 : i32 to vector<128x128xi32>
    %add3A_19 = arith.addi %bitcast_convert_type3A_16, %add3A_18 : vector<128x128xi32>
    %shift_right_logical3A_20 = arith.constant 16 : i32
    %shift_right_logical3A_21 = vector.broadcast %shift_right_logical3A_20 : i32 to vector<128x128xi32>
    %shift_right_logical3A_22 = arith.shrui %bitcast_convert_type3A_16, %shift_right_logical3A_21 : vector<128x128xi32>
    %and3A_23 = arith.constant 1 : i32
    %and3A_24 = vector.broadcast %and3A_23 : i32 to vector<128x128xi32>
    %and3A_25 = arith.andi %shift_right_logical3A_22, %and3A_24 : vector<128x128xi32>
    %add3A_26 = arith.addi %add3A_19, %and3A_25 : vector<128x128xi32>
    %and3A_27 = arith.constant -65536 : i32
    %and3A_28 = vector.broadcast %and3A_27 : i32 to vector<128x128xi32>
    %and3A_29 = arith.andi %add3A_26, %and3A_28 : vector<128x128xi32>
    %bitcast_convert_type3A_30 = tpu.bitcast %and3A_29 : vector<128x128xi32> -> vector<128x128xf32>
    %dot_general3A = arith.constant dense<0.000000e+00> : vector<400x128xf32>
    %dot_general3A_31 = tpu.matmul %bitcast_convert_type3A_12, %bitcast_convert_type3A_30, %dot_general3A {dimension_numbers = #tpu.dot_dimension_numbers<[1], [0], [0], [1], [0, 0, 1, 1], [], []>, transpose_lhs_hint = false} : vector<400x128xf32>, vector<128x128xf32>, vector<400x128xf32> -> vector<400x128xf32>
    %swap3A = arith.constant 0 : index
    %swap3A_32 = arith.constant 0 : index
    %swap3A_33 = vector.load %arg4[%swap3A, %swap3A_32] : memref<400x128xf32, #tpu.memory_space<vmem>>, vector<400x128xf32>
    tpu.vector_store %arg4[%swap3A, %swap3A_32], %dot_general3A_31 {strides = array<i32>} : memref<400x128xf32, #tpu.memory_space<vmem>>, vector<400x128xf32>,
    %get3A_34 = arith.constant 0 : index
    %get3A_35 = arith.constant 0 : index
    %get3A_36 = vector.load %arg3[%get3A_34, %get3A_35] : memref<4x128xf32, #tpu.memory_space<vmem>>, vector<4x128xf32>
    %slice3A = vector.extract_strided_slice %get3A_36 {offsets = [0, 0], sizes = [1, 128], strides = [1, 1]} : vector<4x128xf32> to vector<1x128xf32>
    %mul3A = vector.broadcast %slice3A : vector<1x128xf32> to vector<400x128xf32>
    %mul3A_37 = arith.mulf %dot_general3A_31, %mul3A : vector<400x128xf32>
    %reduce_sum3A = arith.constant dense<0.000000e+00> : vector<400xf32>
    %reduce_sum3A_38 = vector.multi_reduction <add>, %mul3A_37, %reduce_sum3A [1] : vector<400x128xf32> to vector<400xf32>
    %broadcast_in_dim3A = vector.shape_cast %reduce_sum3A_38 : vector<400xf32> to vector<400x1xf32>
    %slice3A_39 = vector.extract_strided_slice %get3A_36 {offsets = [1, 0], sizes = [1, 128], strides = [1, 1]} : vector<4x128xf32> to vector<1x128xf32>
    %mul3A_40 = vector.broadcast %slice3A_39 : vector<1x128xf32> to vector<400x128xf32>
    %mul3A_41 = arith.mulf %dot_general3A_31, %mul3A_40 : vector<400x128xf32>
    %reduce_sum3A_42 = arith.constant dense<0.000000e+00> : vector<400xf32>
    %reduce_sum3A_43 = vector.multi_reduction <add>, %mul3A_41, %reduce_sum3A_42 [1] : vector<400x128xf32> to vector<400xf32>
    %broadcast_in_dim3A_44 = vector.shape_cast %reduce_sum3A_43 : vector<400xf32> to vector<400x1xf32>
    %slice3A_45 = vector.extract_strided_slice %get3A_36 {offsets = [2, 0], sizes = [1, 128], strides = [1, 1]} : vector<4x128xf32> to vector<1x128xf32>
    %mul3A_46 = vector.broadcast %slice3A_45 : vector<1x128xf32> to vector<400x128xf32>
    %mul3A_47 = arith.mulf %dot_general3A_31, %mul3A_46 : vector<400x128xf32>
    %reduce_sum3A_48 = arith.constant dense<0.000000e+00> : vector<400xf32>
    %reduce_sum3A_49 = vector.multi_reduction <add>, %mul3A_47, %reduce_sum3A_48 [1] : vector<400x128xf32> to vector<400xf32>
    %broadcast_in_dim3A_50 = vector.shape_cast %reduce_sum3A_49 : vector<400xf32> to vector<400x1xf32>
    %slice3A_51 = vector.extract_strided_slice %get3A_36 {offsets = [3, 0], sizes = [1, 128], strides = [1, 1]} : vector<4x128xf32> to vector<1x128xf32>
    %mul3A_52 = vector.broadcast %slice3A_51 : vector<1x128xf32> to vector<400x128xf32>
    %mul3A_53 = arith.mulf %dot_general3A_31, %mul3A_52 : vector<400x128xf32>
    %reduce_sum3A_54 = arith.constant dense<0.000000e+00> : vector<400xf32>
    %reduce_sum3A_55 = vector.multi_reduction <add>, %mul3A_53, %reduce_sum3A_54 [1] : vector<400x128xf32> to vector<400xf32>
    %broadcast_in_dim3A_56 = vector.shape_cast %reduce_sum3A_55 : vector<400xf32> to vector<400x1xf32>
    %broadcast_in_dim3A_57 = arith.constant 0.000000e+00 : f32
    %broadcast_in_dim3A_58 = vector.broadcast %broadcast_in_dim3A_57 : f32 to vector<400x4xf32>
    %concatenate3A = tpu.concatenate %broadcast_in_dim3A, %broadcast_in_dim3A_44, %broadcast_in_dim3A_50, %broadcast_in_dim3A_56, %broadcast_in_dim3A_58 in 1 : vector<400x1xf32>, vector<400x1xf32>, vector<400x1xf32>, vector<400x1xf32>, vector<400x4xf32> -> vector<400x8xf32>
    %swap3A_59 = arith.constant 0 : index
    %swap3A_60 = arith.constant 0 : index
    %swap3A_61 = vector.load %arg5[%swap3A_59, %swap3A_60] : memref<400x8xf32, #tpu.memory_space<vmem>>, vector<400x8xf32>
    tpu.vector_store %arg5[%swap3A_59, %swap3A_60], %concatenate3A {strides = array<i32>} : memref<400x8xf32, #tpu.memory_space<vmem>>, vector<400x8xf32>,
    return
  }
  func.func @transform_0(%arg0: i32) -> (i32, i32) {
    %c0_i32 = arith.constant 0 : i32
    %c0_i32_0 = arith.constant 0 : i32
    return %arg0, %c0_i32 : i32, i32
  }
  func.func @transform_1(%arg0: i32) -> (i32, i32) {
    %c0_i32 = arith.constant 0 : i32
    %c0_i32_0 = arith.constant 0 : i32
    %c0_i32_1 = arith.constant 0 : i32
    return %c0_i32, %c0_i32_0 : i32, i32
  }
  func.func @transform_2(%arg0: i32) -> (i32, i32) {
    %c0_i32 = arith.constant 0 : i32
    %c0_i32_0 = arith.constant 0 : i32
    %c0_i32_1 = arith.constant 0 : i32
    return %c0_i32, %c0_i32_0 : i32, i32
  }
  func.func @transform_3(%arg0: i32) -> (i32, i32) {
    %c0_i32 = arith.constant 0 : i32
    %c0_i32_0 = arith.constant 0 : i32
    return %arg0, %c0_i32 : i32, i32
  }
  func.func @transform_4(%arg0: i32) -> (i32, i32) {
    %c0_i32 = arith.constant 0 : i32
    %c0_i32_0 = arith.constant 0 : i32
    return %arg0, %c0_i32 : i32, i32
  }
}

module attributes {stable_mosaic.version = 14 : i64} {
  func.func @_k5a_body(%arg0: i32, %arg1: memref<2x400x128xf32, #tpu.memory_space<vmem>>, %arg2: memref<2x400x16xf32, #tpu.memory_space<vmem>>, %arg3: memref<400x8xf32, #tpu.memory_space<vmem>>, %arg4: memref<400x128xf32, #tpu.memory_space<vmem>>, %arg5: memref<1x128xf32, #tpu.memory_space<vmem>>, %arg6: memref<400x128xf32, #tpu.memory_space<vmem>>) attributes {dimension_semantics = [#tpu.dimension_semantics<arbitrary>], iteration_bounds = array<i64: 25>, scalar_prefetch = 0 : i64, scratch_operands = 0 : i64, tpu.core_type = #tpu.core_type<tc>, window_params = [{transform_indices = @transform_0, window_bounds = array<i64: 2, 400, 128>}, {transform_indices = @transform_1, window_bounds = array<i64: 2, 400, 16>}, {transform_indices = @transform_2, window_bounds = array<i64: 400, 8>}, {transform_indices = @transform_3, window_bounds = array<i64: 400, 128>}, {pipeline_mode = #tpu.pipeline_mode<synchronous>, transform_indices = @transform_4, window_bounds = array<i64: 1, 128>}, {transform_indices = @transform_5, window_bounds = array<i64: 400, 128>}]} {
    %get3A = arith.constant 0 : index
    %get3A_0 = arith.constant 0 : index
    %get3A_1 = vector.load %arg4[%get3A, %get3A_0] : memref<400x128xf32, #tpu.memory_space<vmem>>, vector<400x128xf32>
    %get3A_2 = arith.constant 0 : index
    %get3A_3 = arith.constant 0 : index
    %get3A_4 = arith.constant 0 : index
    %get3A_5 = vector.load %arg2[%get3A_2, %get3A_3, %get3A_4] : memref<2x400x16xf32, #tpu.memory_space<vmem>>, vector<1x400x16xf32>
    %get3A_6 = vector.shape_cast %get3A_5 : vector<1x400x16xf32> to vector<400x16xf32>
    %slice3A = vector.extract_strided_slice %get3A_6 {offsets = [0, 0], sizes = [400, 1], strides = [1, 1]} : vector<400x16xf32> to vector<400x1xf32>
    %get3A_7 = arith.constant 1 : index
    %get3A_8 = arith.constant 0 : index
    %get3A_9 = arith.constant 0 : index
    %get3A_10 = vector.load %arg2[%get3A_7, %get3A_8, %get3A_9] : memref<2x400x16xf32, #tpu.memory_space<vmem>>, vector<1x400x16xf32>
    %get3A_11 = vector.shape_cast %get3A_10 : vector<1x400x16xf32> to vector<400x16xf32>
    %slice3A_12 = vector.extract_strided_slice %get3A_11 {offsets = [0, 0], sizes = [400, 1], strides = [1, 1]} : vector<400x16xf32> to vector<400x1xf32>
    %add3A = arith.addf %slice3A, %slice3A_12 : vector<400x1xf32>
    %get3A_13 = arith.constant 0 : index
    %get3A_14 = arith.constant 0 : index
    %get3A_15 = arith.constant 0 : index
    %get3A_16 = vector.load %arg2[%get3A_13, %get3A_14, %get3A_15] : memref<2x400x16xf32, #tpu.memory_space<vmem>>, vector<1x400x16xf32>
    %get3A_17 = vector.shape_cast %get3A_16 : vector<1x400x16xf32> to vector<400x16xf32>
    %slice3A_18 = vector.extract_strided_slice %get3A_17 {offsets = [0, 8], sizes = [400, 1], strides = [1, 1]} : vector<400x16xf32> to vector<400x1xf32>
    %get3A_19 = arith.constant 1 : index
    %get3A_20 = arith.constant 0 : index
    %get3A_21 = arith.constant 0 : index
    %get3A_22 = vector.load %arg2[%get3A_19, %get3A_20, %get3A_21] : memref<2x400x16xf32, #tpu.memory_space<vmem>>, vector<1x400x16xf32>
    %get3A_23 = vector.shape_cast %get3A_22 : vector<1x400x16xf32> to vector<400x16xf32>
    %slice3A_24 = vector.extract_strided_slice %get3A_23 {offsets = [0, 8], sizes = [400, 1], strides = [1, 1]} : vector<400x16xf32> to vector<400x1xf32>
    %add3A_25 = arith.addf %slice3A_18, %slice3A_24 : vector<400x1xf32>
    %get3A_26 = arith.constant 0 : index
    %get3A_27 = arith.constant 0 : index
    %get3A_28 = vector.load %arg3[%get3A_26, %get3A_27] : memref<400x8xf32, #tpu.memory_space<vmem>>, vector<400x2xf32>
    %get3A_29 = arith.constant 0 : index
    %get3A_30 = arith.constant 2 : index
    %get3A_31 = vector.load %arg3[%get3A_29, %get3A_30] : memref<400x8xf32, #tpu.memory_space<vmem>>, vector<400x2xf32>
    %add3A_32 = arith.addf %get3A_28, %get3A_31 : vector<400x2xf32>
    %gt3A = arith.constant 0.000000e+00 : f32
    %gt3A_33 = vector.broadcast %gt3A : f32 to vector<400x2xf32>
    %gt3A_34 = arith.cmpf ogt, %add3A_32, %gt3A_33 : vector<400x2xf32>
    %mul3A = arith.constant 2.000000e-01 : f32
    %mul3A_35 = vector.broadcast %mul3A : f32 to vector<400x2xf32>
    %mul3A_36 = arith.mulf %add3A_32, %mul3A_35 : vector<400x2xf32>
    %select_n3A = arith.select %gt3A_34, %add3A_32, %mul3A_36 : vector<400x2xi1>, vector<400x2xf32>
    %exp3A = math.exp %select_n3A : vector<400x2xf32>
    %iota3A = tpu.iota {dimensions = array<i32: 1>} : vector<400x128xi32>
    %lt3A = arith.constant 64 : i32
    %lt3A_37 = vector.broadcast %lt3A : i32 to vector<400x128xi32>
    %lt3A_38 = arith.cmpi slt, %iota3A, %lt3A_37 : vector<400x128xi32>
    %slice3A_39 = vector.extract_strided_slice %exp3A {offsets = [0, 0], sizes = [400, 1], strides = [1, 1]} : vector<400x2xf32> to vector<400x1xf32>
    %slice3A_40 = vector.extract_strided_slice %exp3A {offsets = [0, 1], sizes = [400, 1], strides = [1, 1]} : vector<400x2xf32> to vector<400x1xf32>
    %broadcast_in_dim3A = vector.shape_cast %slice3A_39 : vector<400x1xf32> to vector<400x1xf32>
    %broadcast_in_dim3A_41 = vector.broadcast %broadcast_in_dim3A : vector<400x1xf32> to vector<400x128xf32>
    %broadcast_in_dim3A_42 = vector.shape_cast %slice3A_40 : vector<400x1xf32> to vector<400x1xf32>
    %broadcast_in_dim3A_43 = vector.broadcast %broadcast_in_dim3A_42 : vector<400x1xf32> to vector<400x128xf32>
    %select_n3A_44 = arith.select %lt3A_38, %broadcast_in_dim3A_41, %broadcast_in_dim3A_43 : vector<400x128xi1>, vector<400x128xf32>
    %get3A_45 = arith.constant 0 : index
    %get3A_46 = arith.constant 0 : index
    %get3A_47 = arith.constant 0 : index
    %get3A_48 = vector.load %arg1[%get3A_45, %get3A_46, %get3A_47] : memref<2x400x128xf32, #tpu.memory_space<vmem>>, vector<1x400x128xf32>
    %get3A_49 = vector.shape_cast %get3A_48 : vector<1x400x128xf32> to vector<400x128xf32>
    %get3A_50 = arith.constant 1 : index
    %get3A_51 = arith.constant 0 : index
    %get3A_52 = arith.constant 0 : index
    %get3A_53 = vector.load %arg1[%get3A_50, %get3A_51, %get3A_52] : memref<2x400x128xf32, #tpu.memory_space<vmem>>, vector<1x400x128xf32>
    %get3A_54 = vector.shape_cast %get3A_53 : vector<1x400x128xf32> to vector<400x128xf32>
    %add3A_55 = arith.addf %get3A_49, %get3A_54 : vector<400x128xf32>
    %mul3A_56 = arith.mulf %get3A_1, %select_n3A_44 : vector<400x128xf32>
    %add3A_57 = arith.addf %add3A_55, %mul3A_56 : vector<400x128xf32>
    %lt3A_58 = arith.constant 64 : i32
    %lt3A_59 = vector.broadcast %lt3A_58 : i32 to vector<400x128xi32>
    %lt3A_60 = arith.cmpi slt, %iota3A, %lt3A_59 : vector<400x128xi32>
    %slice3A_61 = vector.extract_strided_slice %exp3A {offsets = [0, 0], sizes = [400, 1], strides = [1, 1]} : vector<400x2xf32> to vector<400x1xf32>
    %add3A_62 = arith.addf %add3A, %slice3A_61 : vector<400x1xf32>
    %slice3A_63 = vector.extract_strided_slice %exp3A {offsets = [0, 1], sizes = [400, 1], strides = [1, 1]} : vector<400x2xf32> to vector<400x1xf32>
    %add3A_64 = arith.addf %add3A_25, %slice3A_63 : vector<400x1xf32>
    %broadcast_in_dim3A_65 = vector.shape_cast %add3A_62 : vector<400x1xf32> to vector<400x1xf32>
    %broadcast_in_dim3A_66 = vector.broadcast %broadcast_in_dim3A_65 : vector<400x1xf32> to vector<400x128xf32>
    %broadcast_in_dim3A_67 = vector.shape_cast %add3A_64 : vector<400x1xf32> to vector<400x1xf32>
    %broadcast_in_dim3A_68 = vector.broadcast %broadcast_in_dim3A_67 : vector<400x1xf32> to vector<400x128xf32>
    %select_n3A_69 = arith.select %lt3A_60, %broadcast_in_dim3A_66, %broadcast_in_dim3A_68 : vector<400x128xi1>, vector<400x128xf32>
    %div3A = arith.divf %add3A_57, %select_n3A_69 : vector<400x128xf32>
    %get3A_70 = arith.constant 0 : index
    %get3A_71 = arith.constant 0 : index
    %get3A_72 = vector.load %arg5[%get3A_70, %get3A_71] : memref<1x128xf32, #tpu.memory_space<vmem>>, vector<1x128xf32>
    %add3A_73 = vector.broadcast %get3A_72 : vector<1x128xf32> to vector<400x128xf32>
    %add3A_74 = arith.addf %div3A, %add3A_73 : vector<400x128xf32>
    %max3A = arith.constant 0.000000e+00 : f32
    %max3A_75 = vector.broadcast %max3A : f32 to vector<400x128xf32>
    %max3A_76 = arith.maximumf %add3A_74, %max3A_75 : vector<400x128xf32>
    %swap3A = arith.constant 0 : index
    %swap3A_77 = arith.constant 0 : index
    %swap3A_78 = vector.load %arg6[%swap3A, %swap3A_77] : memref<400x128xf32, #tpu.memory_space<vmem>>, vector<400x128xf32>
    tpu.vector_store %arg6[%swap3A, %swap3A_77], %max3A_76 {strides = array<i32>} : memref<400x128xf32, #tpu.memory_space<vmem>>, vector<400x128xf32>,
    return
  }
  func.func @transform_0(%arg0: i32) -> (i32, i32, i32) {
    %c0_i32 = arith.constant 0 : i32
    %c0_i32_0 = arith.constant 0 : i32
    %c0_i32_1 = arith.constant 0 : i32
    return %c0_i32, %arg0, %c0_i32_0 : i32, i32, i32
  }
  func.func @transform_1(%arg0: i32) -> (i32, i32, i32) {
    %c0_i32 = arith.constant 0 : i32
    %c0_i32_0 = arith.constant 0 : i32
    %c0_i32_1 = arith.constant 0 : i32
    return %c0_i32, %arg0, %c0_i32_0 : i32, i32, i32
  }
  func.func @transform_2(%arg0: i32) -> (i32, i32) {
    %c0_i32 = arith.constant 0 : i32
    %c0_i32_0 = arith.constant 0 : i32
    return %arg0, %c0_i32 : i32, i32
  }
  func.func @transform_3(%arg0: i32) -> (i32, i32) {
    %c0_i32 = arith.constant 0 : i32
    %c0_i32_0 = arith.constant 0 : i32
    return %arg0, %c0_i32 : i32, i32
  }
  func.func @transform_4(%arg0: i32) -> (i32, i32) {
    %c0_i32 = arith.constant 0 : i32
    %c0_i32_0 = arith.constant 0 : i32
    %c0_i32_1 = arith.constant 0 : i32
    return %c0_i32, %c0_i32_0 : i32, i32
  }
  func.func @transform_5(%arg0: i32) -> (i32, i32) {
    %c0_i32 = arith.constant 0 : i32
    %c0_i32_0 = arith.constant 0 : i32
    return %arg0, %c0_i32 : i32, i32
  }
}

module attributes {stable_mosaic.version = 14 : i64} {
  func.func @_k5c_body(%arg0: i32, %arg1: memref<2x400x128xf32, #tpu.memory_space<vmem>>, %arg2: memref<400x128xf32, #tpu.memory_space<vmem>>, %arg3: memref<128x1xf32, #tpu.memory_space<vmem>>, %arg4: memref<128x1xf32, #tpu.memory_space<vmem>>, %arg5: memref<1x1xf32, #tpu.memory_space<vmem>>, %arg6: memref<400x1xf32, #tpu.memory_space<vmem>>) attributes {dimension_semantics = [#tpu.dimension_semantics<arbitrary>], iteration_bounds = array<i64: 25>, scalar_prefetch = 0 : i64, scratch_operands = 0 : i64, tpu.core_type = #tpu.core_type<tc>, window_params = [{transform_indices = @transform_0, window_bounds = array<i64: 2, 400, 128>}, {transform_indices = @transform_1, window_bounds = array<i64: 400, 128>}, {pipeline_mode = #tpu.pipeline_mode<synchronous>, transform_indices = @transform_2, window_bounds = array<i64: 128, 1>}, {pipeline_mode = #tpu.pipeline_mode<synchronous>, transform_indices = @transform_3, window_bounds = array<i64: 128, 1>}, {pipeline_mode = #tpu.pipeline_mode<synchronous>, transform_indices = @transform_4, window_bounds = array<i64: 1, 1>}, {transform_indices = @transform_5, window_bounds = array<i64: 400, 1>}]} {
    %get3A = arith.constant 0 : index
    %get3A_0 = arith.constant 0 : index
    %get3A_1 = arith.constant 0 : index
    %get3A_2 = vector.load %arg1[%get3A, %get3A_0, %get3A_1] : memref<2x400x128xf32, #tpu.memory_space<vmem>>, vector<1x400x128xf32>
    %get3A_3 = vector.shape_cast %get3A_2 : vector<1x400x128xf32> to vector<400x128xf32>
    %get3A_4 = arith.constant 1 : index
    %get3A_5 = arith.constant 0 : index
    %get3A_6 = arith.constant 0 : index
    %get3A_7 = vector.load %arg1[%get3A_4, %get3A_5, %get3A_6] : memref<2x400x128xf32, #tpu.memory_space<vmem>>, vector<1x400x128xf32>
    %get3A_8 = vector.shape_cast %get3A_7 : vector<1x400x128xf32> to vector<400x128xf32>
    %add3A = arith.addf %get3A_3, %get3A_8 : vector<400x128xf32>
    %get3A_9 = arith.constant 0 : index
    %get3A_10 = arith.constant 0 : index
    %get3A_11 = vector.load %arg3[%get3A_9, %get3A_10] : memref<128x1xf32, #tpu.memory_space<vmem>>, vector<128x1xf32>
    %dot_general3A = arith.constant dense<0.000000e+00> : vector<400x1xf32>
    %dot_general3A_12 = tpu.matmul %add3A, %get3A_11, %dot_general3A {dimension_numbers = #tpu.dot_dimension_numbers<[1], [0], [0], [1], [0, 0, 1, 1], [], []>, transpose_lhs_hint = false} : vector<400x128xf32>, vector<128x1xf32>, vector<400x1xf32> -> vector<400x1xf32>
    %get3A_13 = arith.constant 0 : index
    %get3A_14 = arith.constant 0 : index
    %get3A_15 = vector.load %arg2[%get3A_13, %get3A_14] : memref<400x128xf32, #tpu.memory_space<vmem>>, vector<400x128xf32>
    %get3A_16 = arith.constant 0 : index
    %get3A_17 = arith.constant 0 : index
    %get3A_18 = vector.load %arg4[%get3A_16, %get3A_17] : memref<128x1xf32, #tpu.memory_space<vmem>>, vector<128x1xf32>
    %dot_general3A_19 = arith.constant dense<0.000000e+00> : vector<400x1xf32>
    %dot_general3A_20 = tpu.matmul %get3A_15, %get3A_18, %dot_general3A_19 {dimension_numbers = #tpu.dot_dimension_numbers<[1], [0], [0], [1], [0, 0, 1, 1], [], []>, transpose_lhs_hint = false} : vector<400x128xf32>, vector<128x1xf32>, vector<400x1xf32> -> vector<400x1xf32>
    %add3A_21 = arith.addf %dot_general3A_12, %dot_general3A_20 : vector<400x1xf32>
    %get3A_22 = arith.constant 0 : index
    %get3A_23 = arith.constant 0 : index
    %get3A_24 = vector.load %arg5[%get3A_22, %get3A_23] : memref<1x1xf32, #tpu.memory_space<vmem>>, vector<1x1xf32>
    %get3A_25 = vector.extract %get3A_24[0, 0] : f32 from vector<1x1xf32>
    %add3A_26 = vector.broadcast %get3A_25 : f32 to vector<400x1xf32>
    %add3A_27 = arith.addf %add3A_21, %add3A_26 : vector<400x1xf32>
    %swap3A = arith.constant 0 : index
    %swap3A_28 = arith.constant 0 : index
    %swap3A_29 = vector.load %arg6[%swap3A, %swap3A_28] : memref<400x1xf32, #tpu.memory_space<vmem>>, vector<400x1xf32>
    tpu.vector_store %arg6[%swap3A, %swap3A_28], %add3A_27 {strides = array<i32>} : memref<400x1xf32, #tpu.memory_space<vmem>>, vector<400x1xf32>,
    return
  }
  func.func @transform_0(%arg0: i32) -> (i32, i32, i32) {
    %c0_i32 = arith.constant 0 : i32
    %c0_i32_0 = arith.constant 0 : i32
    %c0_i32_1 = arith.constant 0 : i32
    return %c0_i32, %arg0, %c0_i32_0 : i32, i32, i32
  }
  func.func @transform_1(%arg0: i32) -> (i32, i32) {
    %c0_i32 = arith.constant 0 : i32
    %c0_i32_0 = arith.constant 0 : i32
    return %arg0, %c0_i32 : i32, i32
  }
  func.func @transform_2(%arg0: i32) -> (i32, i32) {
    %c0_i32 = arith.constant 0 : i32
    %c0_i32_0 = arith.constant 0 : i32
    %c0_i32_1 = arith.constant 0 : i32
    return %c0_i32, %c0_i32_0 : i32, i32
  }
  func.func @transform_3(%arg0: i32) -> (i32, i32) {
    %c0_i32 = arith.constant 0 : i32
    %c0_i32_0 = arith.constant 0 : i32
    %c0_i32_1 = arith.constant 0 : i32
    return %c0_i32, %c0_i32_0 : i32, i32
  }
  func.func @transform_4(%arg0: i32) -> (i32, i32) {
    %c0_i32 = arith.constant 0 : i32
    %c0_i32_0 = arith.constant 0 : i32
    %c0_i32_1 = arith.constant 0 : i32
    return %c0_i32, %c0_i32_0 : i32, i32
  }
  func.func @transform_5(%arg0: i32) -> (i32, i32) {
    %c0_i32 = arith.constant 0 : i32
    %c0_i32_0 = arith.constant 0 : i32
    return %arg0, %c0_i32 : i32, i32
  }
}

module attributes {stable_mosaic.version = 14 : i64} {
  func.func @_k5b_body(%arg0: i32, %arg1: memref<10000x128xf32, #tpu.memory_space<vmem>>, %arg2: memref<10000x1xf32, #tpu.memory_space<vmem>>, %arg3: memref<2x128xf32, #tpu.memory_space<vmem>>, %arg4: memref<1x2xf32, #tpu.memory_space<vmem>>, %arg5: memref<1x2xf32, #tpu.memory_space<vmem>>, %arg6: memref<10000x1xf32, #tpu.memory_space<vmem>>) attributes {dimension_semantics = [#tpu.dimension_semantics<arbitrary>], iteration_bounds = array<i64: 1>, scalar_prefetch = 0 : i64, scratch_operands = 0 : i64, tpu.core_type = #tpu.core_type<tc>, window_params = [{pipeline_mode = #tpu.pipeline_mode<synchronous>, transform_indices = @transform_0, window_bounds = array<i64: 10000, 128>}, {pipeline_mode = #tpu.pipeline_mode<synchronous>, transform_indices = @transform_1, window_bounds = array<i64: 10000, 1>}, {pipeline_mode = #tpu.pipeline_mode<synchronous>, transform_indices = @transform_2, window_bounds = array<i64: 2, 128>}, {pipeline_mode = #tpu.pipeline_mode<synchronous>, transform_indices = @transform_3, window_bounds = array<i64: 1, 2>}, {pipeline_mode = #tpu.pipeline_mode<synchronous>, transform_indices = @transform_4, window_bounds = array<i64: 1, 2>}, {pipeline_mode = #tpu.pipeline_mode<synchronous>, transform_indices = @transform_5, window_bounds = array<i64: 10000, 1>}]} {
    %get3A = arith.constant 0 : index
    %get3A_0 = arith.constant 0 : index
    %get3A_1 = vector.load %arg2[%get3A, %get3A_0] : memref<10000x1xf32, #tpu.memory_space<vmem>>, vector<10000x1xf32>
    %tanh3A = math.tanh %get3A_1 : vector<10000x1xf32>
    %get3A_2 = arith.constant 0 : index
    %get3A_3 = arith.constant 0 : index
    %get3A_4 = vector.load %arg1[%get3A_2, %get3A_3] : memref<10000x128xf32, #tpu.memory_space<vmem>>, vector<10000x128xf32>
    %mul3A = vector.broadcast %tanh3A : vector<10000x1xf32> to vector<10000x128xf32>
    %mul3A_5 = arith.mulf %get3A_4, %mul3A : vector<10000x128xf32>
    %reduce_sum3A = arith.constant dense<0.000000e+00> : vector<128xf32>
    %reduce_sum3A_6 = vector.multi_reduction <add>, %mul3A_5, %reduce_sum3A [0] : vector<10000x128xf32> to vector<128xf32>
    %broadcast_in_dim3A = vector.shape_cast %reduce_sum3A_6 : vector<128xf32> to vector<1x128xf32>
    %mul3A_7 = arith.constant 9.99999974E-5 : f32
    %mul3A_8 = vector.broadcast %mul3A_7 : f32 to vector<1x128xf32>
    %mul3A_9 = arith.mulf %broadcast_in_dim3A, %mul3A_8 : vector<1x128xf32>
    %get3A_10 = arith.constant 0 : index
    %get3A_11 = arith.constant 0 : index
    %get3A_12 = vector.load %arg3[%get3A_10, %get3A_11] : memref<2x128xf32, #tpu.memory_space<vmem>>, vector<2x128xf32>
    %slice3A = vector.extract_strided_slice %get3A_12 {offsets = [0, 0], sizes = [1, 128], strides = [1, 1]} : vector<2x128xf32> to vector<1x128xf32>
    %mul3A_13 = arith.mulf %mul3A_9, %slice3A : vector<1x128xf32>
    %reduce_sum3A_14 = arith.constant dense<0.000000e+00> : vector<1xf32>
    %reduce_sum3A_15 = vector.multi_reduction <add>, %mul3A_13, %reduce_sum3A_14 [1] : vector<1x128xf32> to vector<1xf32>
    %broadcast_in_dim3A_16 = vector.shape_cast %reduce_sum3A_15 : vector<1xf32> to vector<1x1xf32>
    %slice3A_17 = vector.extract_strided_slice %get3A_12 {offsets = [1, 0], sizes = [1, 128], strides = [1, 1]} : vector<2x128xf32> to vector<1x128xf32>
    %mul3A_18 = arith.mulf %mul3A_9, %slice3A_17 : vector<1x128xf32>
    %reduce_sum3A_19 = arith.constant dense<0.000000e+00> : vector<1xf32>
    %reduce_sum3A_20 = vector.multi_reduction <add>, %mul3A_18, %reduce_sum3A_19 [1] : vector<1x128xf32> to vector<1xf32>
    %broadcast_in_dim3A_21 = vector.shape_cast %reduce_sum3A_20 : vector<1xf32> to vector<1x1xf32>
    %concatenate3A = tpu.concatenate %broadcast_in_dim3A_16, %broadcast_in_dim3A_21 in 1 : vector<1x1xf32>, vector<1x1xf32> -> vector<1x2xf32>
    %get3A_22 = arith.constant 0 : index
    %get3A_23 = arith.constant 0 : index
    %get3A_24 = vector.load %arg4[%get3A_22, %get3A_23] : memref<1x2xf32, #tpu.memory_space<vmem>>, vector<1x2xf32>
    %add3A = arith.addf %concatenate3A, %get3A_24 : vector<1x2xf32>
    %swap3A = arith.constant 0 : index
    %swap3A_25 = arith.constant 0 : index
    %swap3A_26 = vector.load %arg5[%swap3A, %swap3A_25] : memref<1x2xf32, #tpu.memory_space<vmem>>, vector<1x2xf32>
    tpu.vector_store %arg5[%swap3A, %swap3A_25], %add3A {strides = array<i32>} : memref<1x2xf32, #tpu.memory_space<vmem>>, vector<1x2xf32>,
    %reduce_max3A = arith.constant dense<0xFF800000> : vector<1xf32>
    %reduce_max3A_27 = vector.multi_reduction <maximumf>, %get3A_1, %reduce_max3A [0] : vector<10000x1xf32> to vector<1xf32>
    %broadcast_in_dim3A_28 = vector.shape_cast %reduce_max3A_27 : vector<1xf32> to vector<1x1xf32>
    %sub3A = vector.broadcast %broadcast_in_dim3A_28 : vector<1x1xf32> to vector<10000x1xf32>
    %sub3A_29 = arith.subf %get3A_1, %sub3A : vector<10000x1xf32>
    %exp3A = math.exp %sub3A_29 : vector<10000x1xf32>
    %reduce_sum3A_30 = arith.constant dense<0.000000e+00> : vector<1xf32>
    %reduce_sum3A_31 = vector.multi_reduction <add>, %exp3A, %reduce_sum3A_30 [0] : vector<10000x1xf32> to vector<1xf32>
    %broadcast_in_dim3A_32 = vector.shape_cast %reduce_sum3A_31 : vector<1xf32> to vector<1x1xf32>
    %div3A = vector.broadcast %broadcast_in_dim3A_32 : vector<1x1xf32> to vector<10000x1xf32>
    %div3A_33 = arith.divf %exp3A, %div3A : vector<10000x1xf32>
    %swap3A_34 = arith.constant 0 : index
    %swap3A_35 = arith.constant 0 : index
    %swap3A_36 = vector.load %arg6[%swap3A_34, %swap3A_35] : memref<10000x1xf32, #tpu.memory_space<vmem>>, vector<10000x1xf32>
    tpu.vector_store %arg6[%swap3A_34, %swap3A_35], %div3A_33 {strides = array<i32>} : memref<10000x1xf32, #tpu.memory_space<vmem>>, vector<10000x1xf32>,
    return
  }
  func.func @transform_0(%arg0: i32) -> (i32, i32) {
    %c0_i32 = arith.constant 0 : i32
    %c0_i32_0 = arith.constant 0 : i32
    %c0_i32_1 = arith.constant 0 : i32
    return %c0_i32, %c0_i32_0 : i32, i32
  }
  func.func @transform_1(%arg0: i32) -> (i32, i32) {
    %c0_i32 = arith.constant 0 : i32
    %c0_i32_0 = arith.constant 0 : i32
    %c0_i32_1 = arith.constant 0 : i32
    return %c0_i32, %c0_i32_0 : i32, i32
  }
  func.func @transform_2(%arg0: i32) -> (i32, i32) {
    %c0_i32 = arith.constant 0 : i32
    %c0_i32_0 = arith.constant 0 : i32
    %c0_i32_1 = arith.constant 0 : i32
    return %c0_i32, %c0_i32_0 : i32, i32
  }
  func.func @transform_3(%arg0: i32) -> (i32, i32) {
    %c0_i32 = arith.constant 0 : i32
    %c0_i32_0 = arith.constant 0 : i32
    %c0_i32_1 = arith.constant 0 : i32
    return %c0_i32, %c0_i32_0 : i32, i32
  }
  func.func @transform_4(%arg0: i32) -> (i32, i32) {
    %c0_i32 = arith.constant 0 : i32
    %c0_i32_0 = arith.constant 0 : i32
    %c0_i32_1 = arith.constant 0 : i32
    return %c0_i32, %c0_i32_0 : i32, i32
  }
  func.func @transform_5(%arg0: i32) -> (i32, i32) {
    %c0_i32 = arith.constant 0 : i32
    %c0_i32_0 = arith.constant 0 : i32
    %c0_i32_1 = arith.constant 0 : i32
    return %c0_i32, %c0_i32_0 : i32, i32
  }
}

</mosaic_0001>

<sc_bundles>
// kernel: kernel.11.cloned.1.call-start
scs
__scs_entry_jumppad:
0x0: {  	(pc) =	sbr.rel $0x88, $3  }
0x1: {  	(tag) =	ssettag $0x0;
	lr =	simm.s32 $0x1  }
0x2: {  	[smem:$0x3F96] =	sst lr;
	_ =	strace $0xD0000000  }
0x3: {  	_ = 	snop  }
0x4: {  	_ = 	snop  }
0x5: {  	_ = 	snop  }
0x6: {  	_ = 	snop  }
0x7: {  	_ = 	snop  }
__scs_overlays_trampoline_lowered:
0x8: {  	[smem:$0x3FA5] =	sst s0  }
0x9: {  	[smem:$0x3FA6] =	sst s1  }
0xa: {  	[smem:$0x3FA7] =	sst s2  }
0xb: {  	[smem:$0x3FA8] =	sst s3  }
0xc: {  	[smem:$0x3FA9] =	sst s4  }
0xd: {  	[smem:$0x3FAA] =	sst s5  }
0xe: {  	[smem:$0x3FAB] =	sst s6  }
0xf: {  	[smem:$0x3FAC] =	sst s7  }
0x10: {  	[smem:$0x3FAD] =	sst s8  }
0x11: {  	[smem:$0x3FAE] =	sst s9;
	s0 =	simm.s32 @!p0 $0x0  }
0x12: {  	s1 =	sld [smem:$0x3F94];
	s0 =	simm.s32 @p0 $0x1  }
0x13: {  	[smem:$0x3FAF] =	sst s0;
	s0 =	simm.s32 @!p1 $0x0  }
0x14: {  	s2 =	sld [smem:$0x3F93];
	s0 =	simm.s32 @p1 $0x1  }
0x15: {  	[smem:$0x3FB0] =	sst s0;
	s0 =	simm.s32 @!p2 $0x0  }
0x16: {  	s3 =	sld [smem:$0x3FDB];
	s0 =	simm.s32 @p2 $0x1  }
0x17: {  	s4 =	simm.s32 $0x1BF5;
	[smem:$0x3FB2] =	sst s0  }
0x18: {  	s0 =	sld [smem:$0x3F95];
	_ =	swait.ge [sflag:s4], $0x0  }
0x19: {  	s7 =	sld [smem:$0x3F96]  }
0x1a: {  	s8 =	sadd.s32 $0xFFFFE003, lr  }
0x1b: {  	s9 =	sadd.s32 $0xFFFFFEF7, lr;
	s5 =	simm.s32 $0xFFFFFFFF;
	p2 =	slt.u32 s8, $0xFFFFF086  }
0x1c: {  	p1 =	slt.u32 s9, $0xF7A;
	s5 =	simm.s32 @!p2 $0x0  }
0x1d: {  	s5 =	simm.s32 @p1 $0x1;
	p0 =	seq.s32 s7, s2  }
0x1e: {  	s7 =	smul.u32 @!p0 $0xF7A, s2;
	p2 =	seq.s32 @!p0 s5, $0x0  }
0x1f: {  	s9 =	smul.u32 $0xF7A, s1;
	s8 =	simm.s32 @!p0 $0x1BF5;
	p2 =	por !p2, p0  }
0x20: {  	[sflag:s8] =	ssyncset.s32 @!p0 $0xFFFFF086;
	s6 =	sadd.s32 @!p0 s3, s7;
	s7 =	simm.s32 @!p0 $0x108  }
0x21: {  	s3 =	sadd.s32 s3, s9;
	s6 =	sadd.s32 @!p0 $0x88, s6;
	s7 =	simm.s32 @p2 $0x1082  }
0x22: {  	[simem:s7], [sflag:s8] =	dma.local @!p0 [hbm:s6], $0xF7A  }
0x23: {  	s9 =	sor.u32 $0xD0000000, s2;
	s6 =	simm.s32 $0x108;
	_ =	swait.ge @!p0 [sflag:s8], $0x0  }
0x24: {  	s3 =	sadd.s32 $0x88, s3;
	s6 =	simm.s32 @!p1 $0x1082;
	[sflag:s4] =	ssyncset.s32 $0xFFFFF086  }
0x25: {  	[simem:s6], [sflag:s4] =	dma.local [hbm:s3], $0xF7A  }
0x26: {  	[smem:$0x3F96] =	sst s1;
	(tag) =	ssettag s2;
	_ =	strace s9  }
0x27: {  	s1 =	sld [smem:$0x3FA6]  }
0x28: {  	s2 =	sld [smem:$0x3FA7]  }
0x29: {  	s4 =	sld [smem:$0x3FA9]  }
0x2a: {  	p0 =	seq.s32 s5, $0x0;
	s5 =	sld [smem:$0x3FAA]  }
0x2b: {  	s6 =	sld [smem:$0x3FAB]  }
0x2c: {  	s7 =	sld [smem:$0x3FAC]  }
0x2d: {  	s3 =	simm.s32 $0x108;
	s8 =	sld [smem:$0x3FAD]  }
0x2e: {  	s3 =	simm.s32 @!p0 $0x1082;
	s9 =	sld [smem:$0x3FAE]  }
0x2f: {  	lr =	sadd.s32 s0, s3;
	s0 =	sld [smem:$0x3FA5]  }
0x30: {  	s3 =	sld [smem:$0x3FA8]  }
0x31: {  	[smem:$0x3FB1] =	sst s10  }
0x32: {  	s10 =	sld [smem:$0x3FAF];
	_ =	sdelay $0x3  }
0x33: {  	p0 =	seq.s32 s10, $0x1;
	s10 =	sld [smem:$0x3FB1];
	_ =	sdelay $0x3  }
0x34: {  	[smem:$0x3FB1] =	sst s10  }
0x35: {  	s10 =	sld [smem:$0x3FB0];
	_ =	sdelay $0x3  }
0x36: {  	p1 =	seq.s32 s10, $0x1;
	s10 =	sld [smem:$0x3FB1];
	_ =	sdelay $0x3  }
0x37: {  	[smem:$0x3FB1] =	sst s10  }
0x38: {  	s10 =	sld [smem:$0x3FB2]  }
0x39: {  	_ = 	snop;
	(pc) =	sbr.ind lr, $3  }
0x3a: {  	_ = 	snop  }
0x3b: {  	_ = 	snop  }
0x3c: {  	p2 =	seq.s32 s10, $0x1;
	s10 =	sld [smem:$0x3FB1]  }
0x3d: {  	_ =	shalt  }
0x3e: {  	_ =	shalt  }
0x3f: {  	_ =	shalt  }
0x40: {  	_ =	shalt  }
0x41: {  	_ =	shalt  }
0x42: {  	_ =	shalt  }
0x43: {  	_ =	shalt  }
0x44: {  	_ =	shalt  }
0x45: {  	_ =	shalt  }
0x46: {  	_ =	shalt  }
0x47: {  	_ =	shalt  }
0x48: {  	_ =	shalt  }
0x49: {  	_ =	shalt  }
0x4a: {  	_ =	shalt  }
0x4b: {  	_ =	shalt  }
0x4c: {  	_ =	shalt  }
0x4d: {  	_ =	shalt  }
0x4e: {  	_ =	shalt  }
0x4f: {  	_ =	shalt  }
0x50: {  	_ =	shalt  }
0x51: {  	_ =	shalt  }
0x52: {  	_ =	shalt  }
0x53: {  	_ =	shalt  }
0x54: {  	_ =	shalt  }
0x55: {  	_ =	shalt  }
0x56: {  	_ =	shalt  }
0x57: {  	_ =	shalt  }
0x58: {  	_ =	shalt  }
0x59: {  	_ =	shalt  }
0x5a: {  	_ =	shalt  }
0x5b: {  	_ =	shalt  }
0x5c: {  	_ =	shalt  }
0x5d: {  	_ =	shalt  }
0x5e: {  	_ =	shalt  }
0x5f: {  	_ =	shalt  }
0x60: {  	_ =	shalt  }
0x61: {  	_ =	shalt  }
0x62: {  	_ =	shalt  }
0x63: {  	_ =	shalt  }
0x64: {  	_ =	shalt  }
0x65: {  	_ =	shalt  }
0x66: {  	_ =	shalt  }
0x67: {  	_ =	shalt  }
0x68: {  	_ =	shalt  }
0x69: {  	_ =	shalt  }
0x6a: {  	_ =	shalt  }
0x6b: {  	_ =	shalt  }
0x6c: {  	_ =	shalt  }
0x6d: {  	_ =	shalt  }
0x6e: {  	_ =	shalt  }
0x6f: {  	_ =	shalt  }
0x70: {  	_ =	shalt  }
0x71: {  	_ =	shalt  }
0x72: {  	_ =	shalt  }
0x73: {  	_ =	shalt  }
0x74: {  	_ =	shalt  }
0x75: {  	_ =	shalt  }
0x76: {  	_ =	shalt  }
0x77: {  	_ =	shalt  }
0x78: {  	_ =	shalt  }
0x79: {  	_ =	shalt  }
0x7a: {  	_ =	shalt  }
0x7b: {  	_ =	shalt  }
0x7c: {  	_ =	shalt  }
0x7d: {  	_ =	shalt  }
0x7e: {  	_ =	shalt  }
0x7f: {  	_ =	shalt  }
0x80: {  	_ =	shalt  }
0x81: {  	_ =	shalt  }
0x82: {  	_ =	shalt  }
0x83: {  	_ =	shalt  }
0x84: {  	_ =	shalt  }
0x85: {  	_ =	shalt  }
0x86: {  	_ =	shalt  }
0x87: {  	_ =	shalt  }
.Lfunc_end0:
.L_simem_size_0:
called_computation.1_lowered:
.L_overlay_start_0:
0x88: {  	s2 =	sld [smem:$0x3FD9]  }
0x89: {  	s3 =	sld [smem:$0x3FFE];
	_ =	sdelay $0x1  }
0x8a: {  	s1 =	srdreg.scid  }
0x8b: {  	s0 =	sand.u32 $0x1, s1  }
0x8c: {  	s16 =	sshll.u32 s0, $0xA;
	s2 =	sadd.s32 s3, s2  }
0x8d: {  	s2 =	sadd.s32 s2, s16  }
0x8e: {  	[smem:$0x3FBD] =	sst s2  }
0x8f: {  	_ = 	snop  }
0x90: {  	(tm) =	ssettm $0x1  }
0x91: {  	s17 =	sld [smem:$0x3FFB];
	_ =	sdelay $0x3  }
0x92: {  	_ =	strace s17  }
0x93: {  	s2 =	sld [smem:$0x3FFC];
	_ =	sdelay $0x3  }
0x94: {  	_ =	strace s2  }
0x95: {  	s2 =	sld [smem:$0x3FFD];
	_ =	sdelay $0x3  }
0x96: {  	_ =	strace s2  }
0x97: {  	_ =	strace $0x8FFFFFFF  }
0x98: {  	s18 =	sld [smem:$0x3FDB];
	_ =	sdelay $0x1  }
0x99: {  	s19 =	simm.s32 $_scs_section_size  }
0x9a: {  	s4 =	simm.s32 $_size__tile_overlayer_lowered;
	s5 =	simm.s32 $_tile_overlayer_lowered  }
0x9b: {  	s22 =	simm.s32 $0x1BFF;
	s21 =	sshll.u32 s5, $0x1;
	s2 =	sadd.s32 s19, s18  }
0x9c: {  	s6 =	simm.s32 $0x0;
	s20 =	sshll.u32 s4, $0x1;
	s4 =	sadd.s32 s21, s2  }
0x9d: {  	[timem:s6], [sflag:s22] =	dma.local [hbm:s4], s20  }
0x9e: {  	_ =	swait.ge [sflag:s22], s20  }
0x9f: {  	s3 =	ssub.s32 $0x0, s20;
	[sflag:s22] =	ssyncset.done $0x0  }
0xa0: {  	[sflag:s22] =	ssyncadd.s32 s3;
	_ =	sdelay $0x1  }
0xa1: {  	s23 =	simm.s32 $0x1B8B  }
0xa2: {  	_ =	swait.ge [sflag:s23], $0x1  }
0xa3: {  	[sflag:s23] =	ssyncset.done $0x0  }
0xa4: {  	s25 =	simm.s32 $0x1B8E;
	s24 =	sld [smem:$0x3FFE];
	[sflag:s23] =	ssyncadd.s32 $0xFFFFFFFF  }
0xa5: {  	s26 =	simm.s32 $execute0_lowered;
	[smem:$0x3FD2] =	sst s25  }
0xa6: {  	s4 =	sshll.u32 s26, $0x1;
	_ =	strace $0x80000049;
	[dreg:$0x1] =	wrdreg $0xFFFFFFFF  }
0xa7: {  	s28 =	simm.s32 $_size_execute0_lowered;
	s2 =	sadd.s32 s2, s4;
	[dreg:$0x0] =	wrdreg $0x0  }
0xa8: {  	s4 =	sshll.u32 s28, $0x1;
	[dreg:$0x2] =	wrdreg s2  }
0xa9: {  	[dreg:$0x3] =	wrdreg s4  }
0xaa: {  	[dreg:$0x4] =	wrdreg $0xC0  }
0xab: {  	_ =	task [dreg:s6], $0x5FFFF  }
0xac: {  	[dreg:$0x1] =	wrdreg $0xFFFFFFFF  }
0xad: {  	[dreg:$0x0] =	wrdreg $0x60  }
0xae: {  	[dreg:$0x2] =	wrdreg s24  }
0xaf: {  	[dreg:$0x3] =	wrdreg $0x51400  }
0xb0: {  	[dreg:$0x4] =	wrdreg $0x9  }
0xb1: {  	_ =	task.clear_ibuf [dreg:s6], $0x5FFFF;
	_ =	strace $0x90000049  }
0xb2: {  	s29 =	simm.s32 $0x9;
	_ =	strace $0x8000004B  }
0xb3: {  	_ =	swait.ge [sflag:s29], $0x1  }
0xb4: {  	[sflag:s29] =	ssyncadd.s32 $0xFFFFFFFF  }
0xb5: {  	_ =	strace $0x9000004B  }
0xb6: {  	_ =	sfence  }
0xb7: {  	s30 =	sld [smem:$0x0];
	_ =	sdelay $0x2  }
0xb8: {  	s31 =	sshll.u32 s1, $0xD;
	s1 =	sshrl.u32 s1, $0x2  }
0xb9: {  	s3 =	sand.u32 $0x4000, s31;
	s1 =	sadd.s32 s1, s30  }
0xba: {  	s0 =	sor.u32 s3, s0;
	s1 =	sshll.u32 s1, $0x11  }
0xbb: {  	s0 =	sor.u32 s1, s0  }
0xbc: {  	s0 =	sadd.s32 $0x8F2B, s0  }
0xbd: {  	[sflag:s0] =	ssyncadd.remote.s32 $0x1  }
0xbe: {  	_ =	sfence.sel $0xFFFF  }
0xbf: {  	[dreg:$0x0] =	wrdreg $0xFFFFFFFF;
	(pc) =	sbr.abs _section_cstart, $3  }
0xc0: {  	[dreg:$0x1] =	wrdreg $0xFFFFFFFF  }
0xc1: {  	_ =	task.clear_ibuf [dreg:s6], $0x2FFFF;
	_ =	strace $0x9FFFFFFF  }
0xc2: {  	(tm) =	ssettm $0x7FFFFFFF  }
0xc3: {  	_ =	shalt  }
tec
execute0_lowered:
.L_overlay_start_1:
0x0: {  	(tag) =	ssettag $0x1  }
0x1: {  	s0 =	rddreg [dreg:$0x0]  }
0x2: {  	s2 =	rddreg [dreg:$0x1];
	s3 =	simm.s32 $0x0;
	s1 =	srdreg.scid  }
0x3: {  	s12 =	stileid.u32;
	s20 =	simm.s32 $0x5;
	s21 =	simm.s32 $0xA0  }
0x4: {  	s28 =	simm.s32 $0x3;
	s29 =	simm.s32 $0x2;
	s30 =	simm.s32 $0x4  }
0x5: {  	s31 =	simm.s32 $0x0;
	[smem:$0x7FF] =	sst s3;
	s1 =	sand.u32 $0x1, s1  }
0x6: {  	s6 =	smul.u32 $0x14000, s12;
	s4 =	sadd.s32 $0x2C00, s0;
	s19 =	sadd.s32 $0x3DC00, s0  }
0x7: {  	s18 =	sadd.s32 $0x33E00, s0;
	s22 =	sadd.s32 $0x47A00, s0;
	s15 =	smul.u32 $0x2710, s12  }
0x8: {  	s24 =	sshll.u32 s12, $0x6;
	_ =	strace $0x8000004A;
	s5 =	smul.u32 $0x140000, s1  }
0x9: {  	s7 =	sshll.u32 s1, $0x4;
	s8 =	ssub.s32 $0x2, s1;
	[dreg:$0x3] =	wrdreg s22  }
0xa: {  	s1 =	smul.u32 $0x27100, s1;
	s22 =	simm.s32 $0x50;
	s7 =	sor.u32 s12, s7  }
0xb: {  	s10 =	sshrl.u32 s8, $0x1;
	s23 =	sadd.s32 s6, s2;
	s5 =	sadd.s32 s6, s5  }
0xc: {  	s7 =	smul.u32 $0x2710, s7;
	s11 =	ssub.s32 s8, s10;
	[dreg:$0x4] =	wrdreg s23  }
0xd: {  	s1 =	sadd.s32 s15, s1;
	s23 =	simm.s32 $0x140;
	s9 =	sshrl.u32 s5, $0x3  }
0xe: {  	s11 =	smax.u32 s11, $0x1;
	s16 =	sadd.s32 $0x140, s1;
	s1 =	sadd.s32 $0xF0, s1  }
0xf: {  	s0 =	sadd.s32 s9, s0;
	s14 =	sshrl.u32 s7, $0x3;
	s7 =	sor.u32 $0x1C05, s24  }
0x10: {  	s26 =	sshrl.u32 s16, $0x3;
	s1 =	sshrl.u32 s1, $0x3;
	s24 =	simm.s32 $0xF0  }
0x11: {  	s8 =	sadd.s32 s19, s14;
	s9 =	sadd.s32 s18, s14;
	s13 =	sadd.s32 $0xA, s14  }
0x12: {  	s10 =	sadd.s32 $0x4A200, s0;
	s25 =	sadd.s32 $0x14, s14;
	s16 =	sadd.s32 s26, s18  }
0x13: {  	s17 =	sadd.s32 s26, s19;
	s26 =	simm.s32 $0x1;
	s12 =	sadd.s32 s19, s13  }
0x14: {  	s13 =	sadd.s32 s18, s13;
	s14 =	sadd.s32 s19, s25;
	s15 =	sadd.s32 s18, s25  }
0x15: {  	s18 =	sadd.s32 s1, s18;
	s19 =	sadd.s32 s1, s19;
	s25 =	simm.s32 $0x2940  }
.LBB2_1:
0x16: {  	s0 =	rddreg [dreg:$0x4]  }
0x17: {  	s1 =	rddreg [dreg:$0x3];
	s0 =	sshrl.u32 s0, $0x3  }
0x18: {  	[spmem:s0], [sflag:s7] =	dma.local [hbm:s1], $0x2800  }
0x19: {  	_ =	swait.ge [sflag:s20], $0x2800  }
0x1a: {  	[sflag:s20] =	ssyncset.done $0x0  }
0x1b: {  	[sflag:s20] =	ssyncadd.s32 $0xFFFFD800  }
0x1c: {  	[bflag:$0x0] =	sbarrier.arrive $0xFFFF  }
0x1d: {  	[tilespmem:s3], [sflag:$0x5] =	stream.linear.gather [hbm4b:s8+s3], $0x50, $0x38;
	[tilespmem:$0x19140] =	vst v63  }
0x1e: {  	_ =	swait.ge [sflag:s20], $0x50  }
0x1f: {  	[sflag:s20] =	ssyncset.done $0x0  }
0x20: {  	[sflag:s20] =	ssyncadd.s32 $0xFFFFFFB0  }
0x21: {  	[tilespmem:s21], [sflag:$0x5] =	stream.linear.gather [hbm4b:s9+s3], $0x50, $0x38;
	[tilespmem:$0x19140] =	vst v63  }
0x22: {  	_ =	swait.ge [sflag:s20], $0x50  }
0x23: {  	[sflag:s20] =	ssyncset.done $0x0  }
0x24: {  	[sflag:s20] =	ssyncadd.s32 $0xFFFFFFB0  }
0x25: {  	[tilespmem:s23], [sflag:$0x1] =	stream.indirect.gather [hbm4b:s4+s22], $0x80, s3, s22, $0xb8;
	[tilespmem:$0x19140] =	vst v63  }
0x26: {  	_ = 	snop  }
0x27: {  	[tilespmem:s22], [sflag:$0x5] =	stream.linear.gather [hbm4b:s12+s3], $0x50, $0x38;
	[tilespmem:$0x19140] =	vst v63  }
0x28: {  	_ =	swait.ge [sflag:s20], $0x50  }
0x29: {  	[sflag:s20] =	ssyncset.done $0x0  }
0x2a: {  	[sflag:s20] =	ssyncadd.s32 $0xFFFFFFB0  }
0x2b: {  	[tilespmem:s24], [sflag:$0x5] =	stream.linear.gather [hbm4b:s13+s3], $0x50, $0x38;
	[tilespmem:$0x19140] =	vst v63  }
0x2c: {  	_ =	swait.ge [sflag:s20], $0x50  }
0x2d: {  	[sflag:s20] =	ssyncset.done $0x0  }
0x2e: {  	[sflag:s20] =	ssyncadd.s32 $0xFFFFFFB0  }
0x2f: {  	[tilespmem:s25], [sflag:$0x2] =	stream.indirect.gather [hbm4b:s4+s22], $0x80, s22, s22, $0xb8;
	[tilespmem:$0x19140] =	vst v63  }
0x30: {  	_ =	swait.ge [sflag:s26], $0x2800  }
0x31: {  	[sflag:s26] =	ssyncset.done $0x0  }
0x32: {  	[sflag:s26] =	ssyncadd.s32 $0xFFFFD800  }
0x33: {  	[spmem:s2] =	stream.indirect.scatter.add.f32 [tilespmem:s23], [sflag:$0x3], $0x80, s21, s22, $0xb8;
	[tilespmem:$0x19140] =	vst v63  }
0x34: {  	_ =	swait.ge [sflag:s28], $0x2800  }
0x35: {  	[sflag:s28] =	ssyncset.done $0x0  }
0x36: {  	[sflag:s28] =	ssyncadd.s32 $0xFFFFD800  }
0x37: {  	[tilespmem:s3], [sflag:$0x5] =	stream.linear.gather [hbm4b:s14+s3], $0x50, $0x38;
	[tilespmem:$0x19140] =	vst v63  }
0x38: {  	_ =	swait.ge [sflag:s20], $0x50  }
0x39: {  	[sflag:s20] =	ssyncset.done $0x0  }
0x3a: {  	[sflag:s20] =	ssyncadd.s32 $0xFFFFFFB0  }
0x3b: {  	[tilespmem:s21], [sflag:$0x5] =	stream.linear.gather [hbm4b:s15+s3], $0x50, $0x38;
	[tilespmem:$0x19140] =	vst v63  }
0x3c: {  	_ =	swait.ge [sflag:s20], $0x50  }
0x3d: {  	[sflag:s20] =	ssyncset.done $0x0  }
0x3e: {  	[sflag:s20] =	ssyncadd.s32 $0xFFFFFFB0  }
0x3f: {  	[tilespmem:s23], [sflag:$0x1] =	stream.indirect.gather [hbm4b:s4+s22], $0x80, s3, s22, $0xb8;
	[tilespmem:$0x19140] =	vst v63  }
0x40: {  	_ =	swait.ge [sflag:s29], $0x2800  }
0x41: {  	[sflag:s29] =	ssyncset.done $0x0  }
0x42: {  	[sflag:s29] =	ssyncadd.s32 $0xFFFFD800  }
0x43: {  	[spmem:s2] =	stream.indirect.scatter.add.f32 [tilespmem:s25], [sflag:$0x4], $0x80, s24, s22, $0xb8;
	[tilespmem:$0x19140] =	vst v63  }
0x44: {  	_ =	swait.ge [sflag:s30], $0x2800  }
0x45: {  	[sflag:s30] =	ssyncset.done $0x0  }
0x46: {  	s5 =	sadd.s32 $0x0, s19;
	[sflag:s30] =	ssyncadd.s32 $0xFFFFD800  }
0x47: {  	[tilespmem:s22], [sflag:$0x5] =	stream.linear.gather [hbm4b:s5+s3], $0x50, $0x38;
	[tilespmem:$0x19140] =	vst v63  }
0x48: {  	_ =	swait.ge [sflag:s20], $0x50  }
0x49: {  	[sflag:s20] =	ssyncset.done $0x0  }
0x4a: {  	s6 =	sadd.s32 $0x0, s18;
	[sflag:s20] =	ssyncadd.s32 $0xFFFFFFB0  }
0x4b: {  	[tilespmem:s24], [sflag:$0x5] =	stream.linear.gather [hbm4b:s6+s3], $0x50, $0x38;
	[tilespmem:$0x19140] =	vst v63  }
0x4c: {  	_ =	swait.ge [sflag:s20], $0x50  }
0x4d: {  	[sflag:s20] =	ssyncset.done $0x0  }
0x4e: {  	[sflag:s20] =	ssyncadd.s32 $0xFFFFFFB0  }
0x4f: {  	[tilespmem:s25], [sflag:$0x2] =	stream.indirect.gather [hbm4b:s4+s22], $0x80, s22, s22, $0xb8;
	[tilespmem:$0x19140] =	vst v63  }
0x50: {  	_ =	swait.ge [sflag:s26], $0x2800  }
0x51: {  	[sflag:s26] =	ssyncset.done $0x0  }
0x52: {  	[sflag:s26] =	ssyncadd.s32 $0xFFFFD800  }
0x53: {  	[spmem:s2] =	stream.indirect.scatter.add.f32 [tilespmem:s23], [sflag:$0x3], $0x80, s21, s22, $0xb8;
	[tilespmem:$0x19140] =	vst v63  }
0x54: {  	_ =	swait.ge [sflag:s28], $0x2800  }
0x55: {  	[sflag:s28] =	ssyncset.done $0x0  }
0x56: {  	s5 =	sadd.s32 $0x0, s17;
	[sflag:s28] =	ssyncadd.s32 $0xFFFFD800  }
0x57: {  	[tilespmem:s3], [sflag:$0x5] =	stream.linear.gather [hbm4b:s5+s3], $0x50, $0x38;
	[tilespmem:$0x19140] =	vst v63  }
0x58: {  	_ =	swait.ge [sflag:s20], $0x50  }
0x59: {  	[sflag:s20] =	ssyncset.done $0x0  }
0x5a: {  	s6 =	sadd.s32 $0x0, s16;
	[sflag:s20] =	ssyncadd.s32 $0xFFFFFFB0  }
0x5b: {  	[tilespmem:s21], [sflag:$0x5] =	stream.linear.gather [hbm4b:s6+s3], $0x50, $0x38;
	[tilespmem:$0x19140] =	vst v63  }
0x5c: {  	_ =	swait.ge [sflag:s20], $0x50  }
0x5d: {  	[sflag:s20] =	ssyncset.done $0x0  }
0x5e: {  	[sflag:s20] =	ssyncadd.s32 $0xFFFFFFB0  }
0x5f: {  	[tilespmem:s23], [sflag:$0x1] =	stream.indirect.gather [hbm4b:s4+s22], $0x80, s3, s22, $0xb8;
	[tilespmem:$0x19140] =	vst v63  }
0x60: {  	_ =	swait.ge [sflag:s29], $0x2800  }
0x61: {  	[sflag:s29] =	ssyncset.done $0x0  }
0x62: {  	s1 =	simm.s32 $0x14;
	[sflag:s29] =	ssyncadd.s32 $0xFFFFD800  }
.LBB2_2:
0x63: {  	[spmem:s2] =	stream.indirect.scatter.add.f32 [tilespmem:s25], [sflag:$0x4], $0x80, s24, s22, $0xb8;
	[tilespmem:$0x19140] =	vst v63  }
0x64: {  	s5 =	smov.u32 s1  }
0x65: {  	p0 =	sne.s32 s1, $0x4B0;
	s1 =	sadd.s32 $0x14, s1;
	_ =	swait.ge [sflag:s30], $0x2800  }
0x66: {  	[sflag:s30] =	ssyncset.done $0x0  }
0x67: {  	s6 =	sadd.s32 s5, s19;
	[sflag:s30] =	ssyncadd.s32 $0xFFFFD800  }
0x68: {  	[tilespmem:s22], [sflag:$0x5] =	stream.linear.gather [hbm4b:s6+s3], $0x50, $0x38;
	[tilespmem:$0x19140] =	vst v63  }
0x69: {  	_ =	swait.ge [sflag:s20], $0x50  }
0x6a: {  	[sflag:s20] =	ssyncset.done $0x0  }
0x6b: {  	s6 =	sadd.s32 s5, s18;
	[sflag:s20] =	ssyncadd.s32 $0xFFFFFFB0  }
0x6c: {  	[tilespmem:s24], [sflag:$0x5] =	stream.linear.gather [hbm4b:s6+s3], $0x50, $0x38;
	[tilespmem:$0x19140] =	vst v63  }
0x6d: {  	_ =	swait.ge [sflag:s20], $0x50  }
0x6e: {  	[sflag:s20] =	ssyncset.done $0x0  }
0x6f: {  	[sflag:s20] =	ssyncadd.s32 $0xFFFFFFB0  }
0x70: {  	[tilespmem:s25], [sflag:$0x2] =	stream.indirect.gather [hbm4b:s4+s22], $0x80, s22, s22, $0xb8;
	[tilespmem:$0x19140] =	vst v63  }
0x71: {  	_ =	swait.ge [sflag:s26], $0x2800  }
0x72: {  	[sflag:s26] =	ssyncset.done $0x0  }
0x73: {  	[sflag:s26] =	ssyncadd.s32 $0xFFFFD800  }
0x74: {  	[spmem:s2] =	stream.indirect.scatter.add.f32 [tilespmem:s23], [sflag:$0x3], $0x80, s21, s22, $0xb8;
	[tilespmem:$0x19140] =	vst v63  }
0x75: {  	_ =	swait.ge [sflag:s28], $0x2800  }
0x76: {  	[sflag:s28] =	ssyncset.done $0x0  }
0x77: {  	s6 =	sadd.s32 s5, s17;
	[sflag:s28] =	ssyncadd.s32 $0xFFFFD800  }
0x78: {  	[tilespmem:s3], [sflag:$0x5] =	stream.linear.gather [hbm4b:s6+s3], $0x50, $0x38;
	[tilespmem:$0x19140] =	vst v63  }
0x79: {  	_ =	swait.ge [sflag:s20], $0x50  }
0x7a: {  	[sflag:s20] =	ssyncset.done $0x0  }
0x7b: {  	s5 =	sadd.s32 s5, s16;
	[sflag:s20] =	ssyncadd.s32 $0xFFFFFFB0  }
0x7c: {  	[tilespmem:s21], [sflag:$0x5] =	stream.linear.gather [hbm4b:s5+s3], $0x50, $0x38;
	[tilespmem:$0x19140] =	vst v63  }
0x7d: {  	_ =	swait.ge [sflag:s20], $0x50  }
0x7e: {  	[sflag:s20] =	ssyncset.done $0x0  }
.Ltmp0:
0x7f: {  	[sflag:s20] =	ssyncadd.s32 $0xFFFFFFB0;
	(pc) =	sbr.rel @p0 .LBB2_2-.Ltmp0, $4  }
0x80: {  	[tilespmem:s23], [sflag:$0x1] =	stream.indirect.gather [hbm4b:s4+s22], $0x80, s3, s22, $0xb8;
	[tilespmem:$0x19140] =	vst v63  }
0x81: {  	_ =	swait.ge [sflag:s29], $0x2800  }
0x82: {  	[sflag:s29] =	ssyncset.done $0x0  }
0x83: {  	[sflag:s29] =	ssyncadd.s32 $0xFFFFD800  }
0x84: {  	[spmem:s2] =	stream.indirect.scatter.add.f32 [tilespmem:s25], [sflag:$0x4], $0x80, s24, s22, $0xb8;
	[tilespmem:$0x19140] =	vst v63  }
0x85: {  	_ =	swait.ge [sflag:s30], $0x2800  }
0x86: {  	[sflag:s30] =	ssyncset.done $0x0  }
0x87: {  	[sflag:s30] =	ssyncadd.s32 $0xFFFFD800  }
0x88: {  	_ =	swait.ge [sflag:s26], $0x2800  }
0x89: {  	[sflag:s26] =	ssyncset.done $0x0  }
0x8a: {  	[sflag:s26] =	ssyncadd.s32 $0xFFFFD800  }
0x8b: {  	[spmem:s2] =	stream.indirect.scatter.add.f32 [tilespmem:s23], [sflag:$0x3], $0x80, s21, s22, $0xb8;
	[tilespmem:$0x19140] =	vst v63  }
0x8c: {  	_ =	swait.ge [sflag:s28], $0x2800  }
0x8d: {  	s31 =	sadd.s32 $0x1, s31;
	[sflag:s28] =	ssyncset.done $0x0  }
0x8e: {  	p0 =	sne.s32 s31, s11;
	[sflag:s28] =	ssyncadd.s32 $0xFFFFD800  }
.Ltmp1:
0x8f: {  	[bflag:$0x0] =	sbarrier.arrive $0xFFFF;
	(pc) =	sbr.rel @p0 .LBB2_1-.Ltmp1, $4  }
0x90: {  	[hbm:s10], [sflag:s7] =	dma.local [spmem:s0], $0x2800  }
0x91: {  	_ =	swait.ge [sflag:s20], $0x2800  }
0x92: {  	[sflag:s20] =	ssyncset.done $0x0  }
0x93: {  	[sflag:s20] =	ssyncadd.s32 $0xFFFFD800  }
0x94: {  	_ =	sfence.sel $0x180000  }
0x95: {  	[bflag:$0x0] =	sbarrier.arrive $0xFFFF  }
0x96: {  	_ =	strace $0x9000004A  }
0x97: {  	s0 =	stileid.u32;
	[bflag:$0x2] =	sbarrier.arrive $0xFFFF  }
0x98: {  	p0 =	sne.s32 s0, $0x0;
	s0 =	rddreg [dreg:$0x2]  }
0x99: {  	s0 =	sadd.s32 @!p0 $0x100000, s0  }
0x9a: {  	[sflag:s0] =	ssyncadd.tile.s32 @!p0 $0x1;
	_ =	shalt  }
.Lfunc_end2:
_tile_overlayer_lowered:
.L_overlay_start_2:
0x9b: {  	(tag) =	ssettag $0x2  }
0x9c: {  	s0 =	rddreg [dreg:$0x0];
	s2 =	stileid.u32  }
0x9d: {  	s1 =	rddreg [dreg:$0x1];
	p0 =	sne.s32 s2, $0x0  }
0x9e: {  	s3 =	rddreg [dreg:$0x2];
	[bflag:$0x3] =	sbarrier.arrive $0xFFFF;
	s2 =	simm.s32 @!p0 $0x1C05  }
0x9f: {  	[timem:s3], [sflag:s2] =	dma.local @!p0 [hbm:s0], s1  }
0xa0: {  	s0 =	simm.s32 @!p0 $0x5  }
0xa1: {  	_ =	swait.ge @!p0 [sflag:s0], s1  }
0xa2: {  	s1 =	ssub.s32 @!p0 $0x0, s1;
	[sflag:s0] =	ssyncset.done @!p0 $0x0  }
0xa3: {  	[sflag:s0] =	ssyncadd.s32 @!p0 s1  }
0xa4: {  	[bflag:$0x3] =	sbarrier.arrive $0xFFFF  }
0xa5: {  	_ =	shalt  }

// kernel: kernel.8.cloned.1.call-start
scs
__scs_entry_jumppad:
0x0: {  	(pc) =	sbr.rel $0x88, $3  }
0x1: {  	(tag) =	ssettag $0x0;
	lr =	simm.s32 $0x1  }
0x2: {  	[smem:$0x3F96] =	sst lr;
	_ =	strace $0xD0000000  }
0x3: {  	_ = 	snop  }
0x4: {  	_ = 	snop  }
0x5: {  	_ = 	snop  }
0x6: {  	_ = 	snop  }
0x7: {  	_ = 	snop  }
__scs_overlays_trampoline_lowered:
0x8: {  	[smem:$0x3FA5] =	sst s0  }
0x9: {  	[smem:$0x3FA6] =	sst s1  }
0xa: {  	[smem:$0x3FA7] =	sst s2  }
0xb: {  	[smem:$0x3FA8] =	sst s3  }
0xc: {  	[smem:$0x3FA9] =	sst s4  }
0xd: {  	[smem:$0x3FAA] =	sst s5  }
0xe: {  	[smem:$0x3FAB] =	sst s6  }
0xf: {  	[smem:$0x3FAC] =	sst s7  }
0x10: {  	[smem:$0x3FAD] =	sst s8  }
0x11: {  	[smem:$0x3FAE] =	sst s9;
	s0 =	simm.s32 @!p0 $0x0  }
0x12: {  	s1 =	sld [smem:$0x3F94];
	s0 =	simm.s32 @p0 $0x1  }
0x13: {  	[smem:$0x3FAF] =	sst s0;
	s0 =	simm.s32 @!p1 $0x0  }
0x14: {  	s2 =	sld [smem:$0x3F93];
	s0 =	simm.s32 @p1 $0x1  }
0x15: {  	[smem:$0x3FB0] =	sst s0;
	s0 =	simm.s32 @!p2 $0x0  }
0x16: {  	s3 =	sld [smem:$0x3FDB];
	s0 =	simm.s32 @p2 $0x1  }
0x17: {  	s4 =	simm.s32 $0x1BF5;
	[smem:$0x3FB2] =	sst s0  }
0x18: {  	s0 =	sld [smem:$0x3F95];
	_ =	swait.ge [sflag:s4], $0x0  }
0x19: {  	s7 =	sld [smem:$0x3F96]  }
0x1a: {  	s8 =	sadd.s32 $0xFFFFE003, lr  }
0x1b: {  	s9 =	sadd.s32 $0xFFFFFEF7, lr;
	s5 =	simm.s32 $0xFFFFFFFF;
	p2 =	slt.u32 s8, $0xFFFFF086  }
0x1c: {  	p1 =	slt.u32 s9, $0xF7A;
	s5 =	simm.s32 @!p2 $0x0  }
0x1d: {  	s5 =	simm.s32 @p1 $0x1;
	p0 =	seq.s32 s7, s2  }
0x1e: {  	s7 =	smul.u32 @!p0 $0xF7A, s2;
	p2 =	seq.s32 @!p0 s5, $0x0  }
0x1f: {  	s9 =	smul.u32 $0xF7A, s1;
	s8 =	simm.s32 @!p0 $0x1BF5;
	p2 =	por !p2, p0  }
0x20: {  	[sflag:s8] =	ssyncset.s32 @!p0 $0xFFFFF086;
	s6 =	sadd.s32 @!p0 s3, s7;
	s7 =	simm.s32 @!p0 $0x108  }
0x21: {  	s3 =	sadd.s32 s3, s9;
	s6 =	sadd.s32 @!p0 $0x88, s6;
	s7 =	simm.s32 @p2 $0x1082  }
0x22: {  	[simem:s7], [sflag:s8] =	dma.local @!p0 [hbm:s6], $0xF7A  }
0x23: {  	s9 =	sor.u32 $0xD0000000, s2;
	s6 =	simm.s32 $0x108;
	_ =	swait.ge @!p0 [sflag:s8], $0x0  }
0x24: {  	s3 =	sadd.s32 $0x88, s3;
	s6 =	simm.s32 @!p1 $0x1082;
	[sflag:s4] =	ssyncset.s32 $0xFFFFF086  }
0x25: {  	[simem:s6], [sflag:s4] =	dma.local [hbm:s3], $0xF7A  }
0x26: {  	[smem:$0x3F96] =	sst s1;
	(tag) =	ssettag s2;
	_ =	strace s9  }
0x27: {  	s1 =	sld [smem:$0x3FA6]  }
0x28: {  	s2 =	sld [smem:$0x3FA7]  }
0x29: {  	s4 =	sld [smem:$0x3FA9]  }
0x2a: {  	p0 =	seq.s32 s5, $0x0;
	s5 =	sld [smem:$0x3FAA]  }
0x2b: {  	s6 =	sld [smem:$0x3FAB]  }
0x2c: {  	s7 =	sld [smem:$0x3FAC]  }
0x2d: {  	s3 =	simm.s32 $0x108;
	s8 =	sld [smem:$0x3FAD]  }
0x2e: {  	s3 =	simm.s32 @!p0 $0x1082;
	s9 =	sld [smem:$0x3FAE]  }
0x2f: {  	lr =	sadd.s32 s0, s3;
	s0 =	sld [smem:$0x3FA5]  }
0x30: {  	s3 =	sld [smem:$0x3FA8]  }
0x31: {  	[smem:$0x3FB1] =	sst s10  }
0x32: {  	s10 =	sld [smem:$0x3FAF];
	_ =	sdelay $0x3  }
0x33: {  	p0 =	seq.s32 s10, $0x1;
	s10 =	sld [smem:$0x3FB1];
	_ =	sdelay $0x3  }
0x34: {  	[smem:$0x3FB1] =	sst s10  }
0x35: {  	s10 =	sld [smem:$0x3FB0];
	_ =	sdelay $0x3  }
0x36: {  	p1 =	seq.s32 s10, $0x1;
	s10 =	sld [smem:$0x3FB1];
	_ =	sdelay $0x3  }
0x37: {  	[smem:$0x3FB1] =	sst s10  }
0x38: {  	s10 =	sld [smem:$0x3FB2]  }
0x39: {  	_ = 	snop;
	(pc) =	sbr.ind lr, $3  }
0x3a: {  	_ = 	snop  }
0x3b: {  	_ = 	snop  }
0x3c: {  	p2 =	seq.s32 s10, $0x1;
	s10 =	sld [smem:$0x3FB1]  }
0x3d: {  	_ =	shalt  }
0x3e: {  	_ =	shalt  }
0x3f: {  	_ =	shalt  }
0x40: {  	_ =	shalt  }
0x41: {  	_ =	shalt  }
0x42: {  	_ =	shalt  }
0x43: {  	_ =	shalt  }
0x44: {  	_ =	shalt  }
0x45: {  	_ =	shalt  }
0x46: {  	_ =	shalt  }
0x47: {  	_ =	shalt  }
0x48: {  	_ =	shalt  }
0x49: {  	_ =	shalt  }
0x4a: {  	_ =	shalt  }
0x4b: {  	_ =	shalt  }
0x4c: {  	_ =	shalt  }
0x4d: {  	_ =	shalt  }
0x4e: {  	_ =	shalt  }
0x4f: {  	_ =	shalt  }
0x50: {  	_ =	shalt  }
0x51: {  	_ =	shalt  }
0x52: {  	_ =	shalt  }
0x53: {  	_ =	shalt  }
0x54: {  	_ =	shalt  }
0x55: {  	_ =	shalt  }
0x56: {  	_ =	shalt  }
0x57: {  	_ =	shalt  }
0x58: {  	_ =	shalt  }
0x59: {  	_ =	shalt  }
0x5a: {  	_ =	shalt  }
0x5b: {  	_ =	shalt  }
0x5c: {  	_ =	shalt  }
0x5d: {  	_ =	shalt  }
0x5e: {  	_ =	shalt  }
0x5f: {  	_ =	shalt  }
0x60: {  	_ =	shalt  }
0x61: {  	_ =	shalt  }
0x62: {  	_ =	shalt  }
0x63: {  	_ =	shalt  }
0x64: {  	_ =	shalt  }
0x65: {  	_ =	shalt  }
0x66: {  	_ =	shalt  }
0x67: {  	_ =	shalt  }
0x68: {  	_ =	shalt  }
0x69: {  	_ =	shalt  }
0x6a: {  	_ =	shalt  }
0x6b: {  	_ =	shalt  }
0x6c: {  	_ =	shalt  }
0x6d: {  	_ =	shalt  }
0x6e: {  	_ =	shalt  }
0x6f: {  	_ =	shalt  }
0x70: {  	_ =	shalt  }
0x71: {  	_ =	shalt  }
0x72: {  	_ =	shalt  }
0x73: {  	_ =	shalt  }
0x74: {  	_ =	shalt  }
0x75: {  	_ =	shalt  }
0x76: {  	_ =	shalt  }
0x77: {  	_ =	shalt  }
0x78: {  	_ =	shalt  }
0x79: {  	_ =	shalt  }
0x7a: {  	_ =	shalt  }
0x7b: {  	_ =	shalt  }
0x7c: {  	_ =	shalt  }
0x7d: {  	_ =	shalt  }
0x7e: {  	_ =	shalt  }
0x7f: {  	_ =	shalt  }
0x80: {  	_ =	shalt  }
0x81: {  	_ =	shalt  }
0x82: {  	_ =	shalt  }
0x83: {  	_ =	shalt  }
0x84: {  	_ =	shalt  }
0x85: {  	_ =	shalt  }
0x86: {  	_ =	shalt  }
0x87: {  	_ =	shalt  }
.Lfunc_end0:
.L_simem_size_0:
called_computation_lowered:
.L_overlay_start_0:
0x88: {  	s2 =	sld [smem:$0x3FD9]  }
0x89: {  	s3 =	sld [smem:$0x3FFE];
	_ =	sdelay $0x1  }
0x8a: {  	s1 =	srdreg.scid  }
0x8b: {  	s0 =	sand.u32 $0x1, s1  }
0x8c: {  	s14 =	sshll.u32 s0, $0xA;
	s2 =	sadd.s32 s3, s2  }
0x8d: {  	s2 =	sadd.s32 s2, s14  }
0x8e: {  	[smem:$0x3FBD] =	sst s2  }
0x8f: {  	_ = 	snop  }
0x90: {  	s2 =	sld [smem:$0x3FD0];
	_ =	sdelay $0x2  }
0x91: {  	s15 =	simm.s32 $0xA;
	s4 =	simm.s32 $0x10  }
0x92: {  	[smem:s4], [sflag:s15] =	dma.local [hbm:s2], $0x1  }
0x93: {  	_ =	swait.eq [sflag:s15], $0x1  }
0x94: {  	[sflag:s15] =	ssyncset.done $0x0  }
0x95: {  	[sflag:s15] =	ssyncadd.s32 $0xFFFFFFFF  }
0x96: {  	s16 =	sld [smem:$0x11];
	(tm) =	ssettm $0x1  }
0x97: {  	s17 =	sld [smem:$0x3FFB];
	_ =	sdelay $0x3  }
0x98: {  	_ =	strace s17  }
0x99: {  	s3 =	sld [smem:$0x3FFC];
	_ =	sdelay $0x3  }
0x9a: {  	_ =	strace s3  }
0x9b: {  	s3 =	sld [smem:$0x3FFD];
	_ =	sdelay $0x3  }
0x9c: {  	_ =	strace s3  }
0x9d: {  	_ =	strace $0x8FFFFFFF  }
0x9e: {  	s18 =	sld [smem:$0x3FDB];
	_ =	sdelay $0x1  }
0x9f: {  	s19 =	simm.s32 $_scs_section_size  }
0xa0: {  	s5 =	simm.s32 $_size__tile_overlayer_lowered;
	s6 =	simm.s32 $_tile_overlayer_lowered  }
0xa1: {  	s22 =	simm.s32 $0x1BFF;
	s21 =	sshll.u32 s6, $0x1;
	s3 =	sadd.s32 s19, s18  }
0xa2: {  	s7 =	simm.s32 $0x0;
	s20 =	sshll.u32 s5, $0x1;
	s5 =	sadd.s32 s21, s3  }
0xa3: {  	[timem:s7], [sflag:s22] =	dma.local [hbm:s5], s20  }
0xa4: {  	_ =	swait.ge [sflag:s22], s20  }
0xa5: {  	s4 =	ssub.s32 $0x0, s20;
	[sflag:s22] =	ssyncset.done $0x0  }
0xa6: {  	[sflag:s22] =	ssyncadd.s32 s4;
	_ =	sdelay $0x1  }
0xa7: {  	s23 =	simm.s32 $0x1B8B  }
0xa8: {  	_ =	swait.ge [sflag:s23], $0x1  }
0xa9: {  	[sflag:s23] =	ssyncset.done $0x0  }
0xaa: {  	s25 =	simm.s32 $0x1B8E;
	s24 =	sld [smem:$0x3FFE];
	[sflag:s23] =	ssyncadd.s32 $0xFFFFFFFF  }
0xab: {  	s26 =	simm.s32 $execute0_lowered;
	[smem:$0x3FD2] =	sst s25  }
0xac: {  	s5 =	sshll.u32 s26, $0x1;
	_ =	strace $0x80000046;
	[dreg:$0x1] =	wrdreg $0xFFFFFFFF  }
0xad: {  	s28 =	simm.s32 $_size_execute0_lowered;
	s3 =	sadd.s32 s3, s5;
	[dreg:$0x0] =	wrdreg $0x0  }
0xae: {  	s5 =	sshll.u32 s28, $0x1;
	[dreg:$0x2] =	wrdreg s3  }
0xaf: {  	[dreg:$0x3] =	wrdreg s5  }
0xb0: {  	[dreg:$0x4] =	wrdreg $0xC0  }
0xb1: {  	_ =	task [dreg:s7], $0x5FFFF  }
0xb2: {  	[dreg:$0x1] =	wrdreg $0xFFFFFFFF  }
0xb3: {  	[dreg:$0x0] =	wrdreg $0x60  }
0xb4: {  	[dreg:$0x2] =	wrdreg s24  }
0xb5: {  	[dreg:$0x3] =	wrdreg s16  }
0xb6: {  	[dreg:$0x4] =	wrdreg $0x6F400  }
0xb7: {  	[dreg:$0x5] =	wrdreg $0x1AF400  }
0xb8: {  	[dreg:$0x6] =	wrdreg $0x9  }
0xb9: {  	_ =	task.clear_ibuf [dreg:s7], $0x7FFFF;
	_ =	strace $0x90000046  }
0xba: {  	s29 =	simm.s32 $0x9;
	_ =	strace $0x80000048  }
0xbb: {  	_ =	swait.ge [sflag:s29], $0x1  }
0xbc: {  	[sflag:s29] =	ssyncadd.s32 $0xFFFFFFFF  }
0xbd: {  	_ =	strace $0x90000048  }
0xbe: {  	_ =	sfence  }
0xbf: {  	s30 =	sld [smem:$0x0];
	_ =	sdelay $0x2  }
0xc0: {  	s31 =	sshll.u32 s1, $0xD;
	s1 =	sshrl.u32 s1, $0x2  }
0xc1: {  	s3 =	sand.u32 $0x4000, s31;
	s1 =	sadd.s32 s1, s30  }
0xc2: {  	s0 =	sor.u32 s3, s0;
	s1 =	sshll.u32 s1, $0x11  }
0xc3: {  	s0 =	sor.u32 s1, s0  }
0xc4: {  	s0 =	sadd.s32 $0x8F2B, s0  }
0xc5: {  	[sflag:s0] =	ssyncadd.remote.s32 $0x1  }
0xc6: {  	_ =	sfence.sel $0xFFFF  }
0xc7: {  	[dreg:$0x0] =	wrdreg $0xFFFFFFFF;
	(pc) =	sbr.abs _section_cstart, $3  }
0xc8: {  	[dreg:$0x1] =	wrdreg $0xFFFFFFFF  }
0xc9: {  	_ =	task.clear_ibuf [dreg:s7], $0x2FFFF;
	_ =	strace $0x9FFFFFFF  }
0xca: {  	(tm) =	ssettm $0x7FFFFFFF  }
0xcb: {  	_ =	shalt  }
tec
execute0_lowered:
.L_overlay_start_1:
0x0: {  	(tag) =	ssettag $0x1  }
0x1: {  	s0 =	rddreg [dreg:$0x0]  }
0x2: {  	s2 =	rddreg [dreg:$0x2]  }
0x3: {  	s4 =	rddreg [dreg:$0x3];
	s3 =	simm.s32 $0x0;
	s1 =	srdreg.scid  }
0x4: {  	s15 =	stileid.u32;
	s28 =	simm.s32 $0x6540;
	s29 =	simm.s32 $0xF0  }
0x5: {  	s30 =	simm.s32 $0x2940;
	s18 =	simm.s32 $0x4;
	s19 =	simm.s32 $0x6  }
0x6: {  	s20 =	simm.s32 $0x5640;
	[smem:$0x7FF] =	sst s3;
	s1 =	sand.u32 $0x1, s1  }
0x7: {  	s21 =	smul.u32 $0x14000, s15;
	s6 =	sadd.s32 $0x2C00, s0;
	s7 =	sadd.s32 $0x2EE00, s0  }
0x8: {  	s8 =	sadd.s32 $0x29E00, s0;
	s9 =	sadd.s32 $0x3DC00, s0;
	s11 =	smul.u32 $0x2800, s15  }
0x9: {  	s10 =	sadd.s32 $0x33E00, s0;
	s13 =	sadd.s32 $0x47A00, s0;
	s5 =	smul.u32 $0x140000, s1  }
0xa: {  	s23 =	sshll.u32 s15, $0x6;
	_ =	strace $0x80000047;
	s12 =	smul.u32 $0x28000, s1  }
0xb: {  	[dreg:$0x5] =	wrdreg s13;
	s22 =	sshll.u32 s1, $0x4;
	s1 =	ssub.s32 $0x2, s1  }
0xc: {  	s13 =	sor.u32 s15, s22;
	s14 =	sshrl.u32 s1, $0x1;
	s3 =	sadd.s32 s21, s2  }
0xd: {  	s22 =	simm.s32 $0x9;
	s15 =	simm.s32 $0x2;
	s5 =	sadd.s32 s21, s5  }
0xe: {  	s12 =	sadd.s32 s11, s12;
	s13 =	smul.u32 $0x2710, s13;
	s1 =	ssub.s32 s1, s14  }
0xf: {  	s21 =	sor.u32 $0x1C09, s23;
	s11 =	sadd.s32 s11, s4;
	s23 =	simm.s32 $0xA0  }
0x10: {  	s14 =	simm.s32 $0x7;
	s5 =	sshrl.u32 s5, $0x3;
	s12 =	sshrl.u32 s12, $0x3  }
0x11: {  	[dreg:$0x7] =	wrdreg s11;
	s31 =	smax.u32 s1, $0x1;
	s1 =	simm.s32 $0x3  }
0x12: {  	s11 =	simm.s32 $0x5;
	[dreg:$0x6] =	wrdreg s21;
	s5 =	sadd.s32 s5, s0  }
0x13: {  	s0 =	sadd.s32 s12, s0;
	s24 =	sshrl.u32 s13, $0x3;
	s16 =	sadd.s32 $0x50, s13  }
0x14: {  	s17 =	sadd.s32 $0xA0, s13;
	[dreg:$0xc] =	wrdreg s31;
	s25 =	sadd.s32 s9, s24  }
0x15: {  	s13 =	simm.s32 $0x5140;
	s26 =	sadd.s32 s10, s24;
	[dreg:$0x8] =	wrdreg s25  }
0x16: {  	s12 =	simm.s32 $0x0;
	s5 =	sadd.s32 $0x54200, s5;
	[dreg:$0x9] =	wrdreg s26  }
0x17: {  	s0 =	sadd.s32 $0x4A200, s0;
	s24 =	simm.s32 $0x50;
	[dreg:$0xa] =	wrdreg s5  }
0x18: {  	[dreg:$0xb] =	wrdreg s0;
	s5 =	sshrl.u32 s3, $0x3;
	s25 =	simm.s32 $0x140  }
0x19: {  	vm0 =	vmmov $0xff;
	s26 =	simm.s32 $0x5B40;
	s3 =	simm.s32 $0x1;
	[dreg:$0xd] =	wrdreg s5  }
.LBB2_1:
0x1a: {  	[dreg:$0xe] =	wrdreg s12  }
0x1b: {  	s0 =	rddreg [dreg:$0x5]  }
0x1c: {  	[spmem:s5], [sflag:s21] =	dma.local [hbm:s0], $0x2800  }
0x1d: {  	_ =	swait.ge [sflag:s22], $0x2800  }
0x1e: {  	[sflag:s22] =	ssyncset.done $0x0  }
0x1f: {  	s5 =	rddreg [dreg:$0x7];
	[sflag:s22] =	ssyncadd.s32 $0xFFFFD800  }
0x20: {  	s12 =	sshrl.u32 s5, $0x3;
	s31 =	rddreg [dreg:$0x1]  }
0x21: {  	[dreg:$0xf] =	wrdreg s12  }
0x22: {  	[spmem:s12], [sflag:s21] =	dma.local [hbm:s31], $0x500  }
0x23: {  	_ =	swait.ge [sflag:s22], $0x500  }
0x24: {  	[sflag:s22] =	ssyncset.done $0x0  }
0x25: {  	[sflag:s22] =	ssyncadd.s32 $0xFFFFFB00  }
0x26: {  	[bflag:$0x0] =	sbarrier.arrive $0xFFFF  }
0x27: {  	s12 =	simm.s32 $0x0;
	s21 =	rddreg [dreg:$0x8]  }
0x28: {  	[tilespmem:s12], [sflag:$0x9] =	stream.linear.gather [hbm4b:s21+s12], $0x50, $0x38;
	[tilespmem:$0x1D740] =	vst v63  }
0x29: {  	_ =	swait.ge [sflag:s22], $0x50  }
0x2a: {  	[sflag:s22] =	ssyncset.done $0x0  }
0x2b: {  	s31 =	rddreg [dreg:$0x9];
	[sflag:s22] =	ssyncadd.s32 $0xFFFFFFB0  }
0x2c: {  	[tilespmem:s23], [sflag:$0x9] =	stream.linear.gather [hbm4b:s31+s12], $0x50, $0x38;
	[tilespmem:$0x1D740] =	vst v63  }
0x2d: {  	_ =	swait.ge [sflag:s22], $0x50  }
0x2e: {  	[sflag:s22] =	ssyncset.done $0x0  }
0x2f: {  	[sflag:s22] =	ssyncadd.s32 $0xFFFFFFB0  }
0x30: {  	[tilespmem:s25], [sflag:$0x1] =	stream.indirect.gather [hbm4b:s6+s24], $0x80, s12, s24, $0xb8;
	[tilespmem:$0x1D740] =	vst v63  }
0x31: {  	_ = 	snop  }
0x32: {  	[tilespmem:s26], [sflag:$0x3] =	stream.indirect.gather [hbm4b:s7+s24], $0x10, s12, s24, $0xb8;
	[tilespmem:$0x1D740] =	vst v63  }
0x33: {  	s5 =	simm.s32 $0x0  }
0x34: {  	[tilespmem:s28], [sflag:$0x5] =	stream.indirect.gather [hbm4b:s8+s24], $0x10, s23, s24, $0xb8;
	[tilespmem:$0x1D740] =	vst v63  }
.LBB2_2:
0x35: {  	p0 =	seq.s32 s5, $0x0  }
0x36: {  	s0 =	simm.s32 @!p0 $0x8  }
0x37: {  	_ =	swait.ge @!p0 [sflag:s0], $0x2800  }
0x38: {  	s12 =	smul.u32 $0xA0, s5;
	[sflag:s0] =	ssyncset.done @!p0 $0x0  }
0x39: {  	[sflag:s0] =	ssyncadd.s32 @!p0 $0xFFFFD800  }
0x3a: {  	s21 =	sadd.s32 s12, s16;
	_ =	swait.ge @!p0 [sflag:s0], $0x500  }
0x3b: {  	s21 =	sshrl.u32 s21, $0x3;
	[sflag:s0] =	ssyncset.done @!p0 $0x0  }
0x3c: {  	s31 =	simm.s32 $0x0;
	[sflag:s0] =	ssyncadd.s32 @!p0 $0xFFFFFB00;
	s0 =	sadd.s32 s9, s21  }
0x3d: {  	[tilespmem:s24], [sflag:$0x9] =	stream.linear.gather [hbm4b:s0+s31], $0x50, $0x38;
	[tilespmem:$0x1D740] =	vst v63  }
0x3e: {  	_ =	swait.ge [sflag:s22], $0x50  }
0x3f: {  	[sflag:s22] =	ssyncset.done $0x0  }
0x40: {  	s21 =	sadd.s32 s10, s21;
	[sflag:s22] =	ssyncadd.s32 $0xFFFFFFB0  }
0x41: {  	[tilespmem:s29], [sflag:$0x9] =	stream.linear.gather [hbm4b:s21+s31], $0x50, $0x38;
	[tilespmem:$0x1D740] =	vst v63  }
0x42: {  	_ =	swait.ge [sflag:s22], $0x50  }
0x43: {  	[sflag:s22] =	ssyncset.done $0x0  }
0x44: {  	[sflag:s22] =	ssyncadd.s32 $0xFFFFFFB0  }
0x45: {  	[tilespmem:s30], [sflag:$0x2] =	stream.indirect.gather [hbm4b:s6+s24], $0x80, s24, s24, $0xb8;
	[tilespmem:$0x1D740] =	vst v63  }
0x46: {  	s21 =	simm.s32 $0x6040  }
0x47: {  	[tilespmem:s21], [sflag:$0x4] =	stream.indirect.gather [hbm4b:s7+s24], $0x10, s24, s24, $0xb8;
	[tilespmem:$0x1D740] =	vst v63  }
0x48: {  	s21 =	simm.s32 $0x6A40  }
0x49: {  	[tilespmem:s21], [sflag:$0x6] =	stream.indirect.gather [hbm4b:s8+s24], $0x10, s29, s24, $0xb8;
	[tilespmem:$0x1D740] =	vst v63  }
0x4a: {  	_ =	swait.ge [sflag:s3], $0x2800  }
0x4b: {  	[sflag:s3] =	ssyncset.done $0x0  }
0x4c: {  	[sflag:s3] =	ssyncadd.s32 $0xFFFFD800  }
0x4d: {  	_ =	swait.ge [sflag:s1], $0x500  }
0x4e: {  	[sflag:s1] =	ssyncset.done $0x0  }
0x4f: {  	[sflag:s1] =	ssyncadd.s32 $0xFFFFFB00  }
0x50: {  	_ =	swait.ge [sflag:s11], $0x500  }
0x51: {  	[sflag:s11] =	ssyncset.done $0x0  }
0x52: {  	s0 =	simm.s32 $0x0;
	[sflag:s11] =	ssyncadd.s32 $0xFFFFFB00  }
0x53: {  	v0 =	vld [tilespmem:s0+$0x6540]  }
0x54: {  	v1 =	vld [tilespmem:s0+$0x5B40];
	_ =	sdelay $0x4  }
0x55: {  	v0 =	vadd.f32 v0, v1;
	_ =	sdelay $0x1  }
0x56: {  	v1 =	vmul.f32 $2.000000030e-01, v0  }
0x57: {  	vm1 =	vgt.f32 v0, $0.0e+00  }
0x58: {  	v0 =	vsel vm1, v0, v1  }
0x59: {  	v0 =	vmul.f32 $1.442695020e+00, v0;
	_ =	sdelay $0x1  }
0x5a: {  	(erf) = vpow2.f32 v0;
	_ =	sdelay $0x8  }
0x5b: {  	v0 =	vpop (erf)  }
0x5c: {  	v1 =	vbroadcast v0, $0x0;
	v0 =	vbroadcast v0, $0x1;
	_ =	sdelay $0x1  }
0x5d: {  	v2 =	vsel vm0, v1, v0  }
0x5e: {  	s21 =	simm.s32 $0x180;
	[tilespmem:s0+$0x5140] =	vst v2  }
0x5f: {  	v2 =	vld [tilespmem:s21+$0x30]  }
0x60: {  	v3 =	vld [tilespmem:s21+$0x20]  }
0x61: {  	v4 =	vld [tilespmem:s21+$0x10]  }
0x62: {  	v5 =	vld [tilespmem:s21+$0x0]  }
0x63: {  	v6 =	vld [tilespmem:s21+$0xFFFFFFF0]  }
0x64: {  	v7 =	vld [tilespmem:s21+$0xFFFFFFE0];
	v2 =	vmul.f32 v2, v0  }
0x65: {  	v8 =	vld [tilespmem:s21+$0xFFFFFFD0];
	v3 =	vmul.f32 v3, v0  }
0x66: {  	v9 =	vld [tilespmem:s21+$0xFFFFFFC0];
	v4 =	vmul.f32 v4, v0;
	[tilespmem:s21+$0x30] =	vst v2  }
0x67: {  	v0 =	vmul.f32 v5, v0;
	[tilespmem:s21+$0x20] =	vst v3  }
0x68: {  	v2 =	vmul.f32 v6, v1;
	[tilespmem:s21+$0x10] =	vst v4  }
0x69: {  	v3 =	vmul.f32 v1, v7;
	[tilespmem:s21+$0x0] =	vst v0  }
0x6a: {  	v0 =	vmul.f32 v1, v8;
	[tilespmem:s21+$0xFFFFFFF0] =	vst v2  }
0x6b: {  	v1 =	vmul.f32 v1, v9;
	[tilespmem:s21+$0xFFFFFFE0] =	vst v3  }
0x6c: {  	[tilespmem:s21+$0xFFFFFFD0] =	vst v0  }
0x6d: {  	s0 =	simm.s32 $0x10;
	[tilespmem:s21+$0xFFFFFFC0] =	vst v1  }
0x6e: {  	s31 =	simm.s32 $0x80;
	v0 =	vld [tilespmem:s0+$0x6540]  }
.LBB2_3:
0x6f: {  	p0 =	sne.s32 s31, $0x13C0;
	v1 =	vld [tilespmem:s0+$0x5B40];
	_ =	sdelay $0x4  }
0x70: {  	v0 =	vadd.f32 v0, v1;
	_ =	sdelay $0x1  }
0x71: {  	v1 =	vmul.f32 $2.000000030e-01, v0  }
0x72: {  	vm1 =	vgt.f32 v0, $0.0e+00  }
0x73: {  	v0 =	vsel vm1, v0, v1  }
0x74: {  	v0 =	vmul.f32 $1.442695020e+00, v0;
	_ =	sdelay $0x1  }
0x75: {  	(erf) = vpow2.f32 v0;
	_ =	sdelay $0x8  }
0x76: {  	v0 =	vpop (erf)  }
0x77: {  	v1 =	vbroadcast v0, $0x0;
	v0 =	vbroadcast v0, $0x1;
	_ =	sdelay $0x1  }
0x78: {  	v2 =	vsel vm0, v1, v0  }
0x79: {  	s21 =	sadd.s32 $0x80, s21;
	[tilespmem:s0+$0x5140] =	vst v2  }
0x7a: {  	v2 =	vld [tilespmem:s21+$0x30]  }
0x7b: {  	v3 =	vld [tilespmem:s21+$0x20]  }
0x7c: {  	v4 =	vld [tilespmem:s21+$0x10]  }
0x7d: {  	v5 =	vld [tilespmem:s21+$0x0]  }
0x7e: {  	v6 =	vld [tilespmem:s21+$0xFFFFFFF0]  }
0x7f: {  	v7 =	vld [tilespmem:s21+$0xFFFFFFE0];
	v2 =	vmul.f32 v2, v0  }
0x80: {  	v8 =	vld [tilespmem:s21+$0xFFFFFFD0];
	v3 =	vmul.f32 v3, v0  }
0x81: {  	v9 =	vld [tilespmem:s21+$0xFFFFFFC0];
	v4 =	vmul.f32 v4, v0;
	[tilespmem:s21+$0x30] =	vst v2  }
0x82: {  	v0 =	vmul.f32 v5, v0;
	[tilespmem:s21+$0x20] =	vst v3  }
0x83: {  	v2 =	vmul.f32 v6, v1;
	[tilespmem:s21+$0x10] =	vst v4  }
0x84: {  	v3 =	vmul.f32 v1, v7;
	[tilespmem:s21+$0x0] =	vst v0  }
.Ltmp0:
0x85: {  	v0 =	vmul.f32 v1, v8;
	[tilespmem:s21+$0xFFFFFFF0] =	vst v2;
	(pc) =	sbr.rel @p0 .LBB2_3-.Ltmp0, $4  }
0x86: {  	v1 =	vmul.f32 v1, v9;
	[tilespmem:s21+$0xFFFFFFE0] =	vst v3  }
0x87: {  	[tilespmem:s21+$0xFFFFFFD0] =	vst v0  }
0x88: {  	s0 =	sshra.s32 s31, $0x2;
	[tilespmem:s21+$0xFFFFFFC0] =	vst v1  }
0x89: {  	s31 =	sadd.s32 $0x40, s31;
	v0 =	vld [tilespmem:s0+$0x6540]  }
0x8a: {  	v1 =	vld [tilespmem:s0+$0x5B40];
	_ =	sdelay $0x4  }
0x8b: {  	v0 =	vadd.f32 v0, v1;
	_ =	sdelay $0x1  }
0x8c: {  	v1 =	vmul.f32 $2.000000030e-01, v0  }
0x8d: {  	vm1 =	vgt.f32 v0, $0.0e+00  }
0x8e: {  	v0 =	vsel vm1, v0, v1  }
0x8f: {  	v0 =	vmul.f32 $1.442695020e+00, v0;
	_ =	sdelay $0x1  }
0x90: {  	(erf) = vpow2.f32 v0;
	_ =	sdelay $0x8  }
0x91: {  	v0 =	vpop (erf)  }
0x92: {  	v1 =	vbroadcast v0, $0x0;
	v0 =	vbroadcast v0, $0x1;
	_ =	sdelay $0x1  }
0x93: {  	v2 =	vsel vm0, v1, v0  }
0x94: {  	s31 =	sadd.s32 $0x80, s21;
	[tilespmem:s0+$0x5140] =	vst v2  }
0x95: {  	v2 =	vld [tilespmem:s31+$0x30]  }
0x96: {  	v3 =	vld [tilespmem:s31+$0x20]  }
0x97: {  	v4 =	vld [tilespmem:s31+$0x10]  }
0x98: {  	v5 =	vld [tilespmem:s31+$0x0]  }
0x99: {  	v6 =	vld [tilespmem:s31+$0xFFFFFFF0]  }
0x9a: {  	v7 =	vld [tilespmem:s31+$0xFFFFFFE0];
	v2 =	vmul.f32 v2, v0  }
0x9b: {  	v8 =	vld [tilespmem:s31+$0xFFFFFFD0];
	v3 =	vmul.f32 v3, v0  }
0x9c: {  	v9 =	vld [tilespmem:s31+$0xFFFFFFC0];
	v4 =	vmul.f32 v4, v0;
	[tilespmem:s31+$0x30] =	vst v2  }
0x9d: {  	v0 =	vmul.f32 v5, v0;
	[tilespmem:s31+$0x20] =	vst v3  }
0x9e: {  	v2 =	vmul.f32 v6, v1;
	[tilespmem:s31+$0x10] =	vst v4  }
0x9f: {  	v3 =	vmul.f32 v1, v7;
	[tilespmem:s31+$0x0] =	vst v0  }
0xa0: {  	v0 =	vmul.f32 v1, v8;
	[tilespmem:s31+$0xFFFFFFF0] =	vst v2  }
0xa1: {  	v1 =	vmul.f32 v1, v9;
	[tilespmem:s31+$0xFFFFFFE0] =	vst v3  }
0xa2: {  	[tilespmem:s31+$0xFFFFFFD0] =	vst v0  }
0xa3: {  	[tilespmem:s31+$0xFFFFFFC0] =	vst v1  }
0xa4: {  	[spmem:s2] =	stream.indirect.scatter.add.f32 [tilespmem:s25], [sflag:$0x7], $0x80, s23, s24, $0xb8;
	[tilespmem:$0x1D740] =	vst v63  }
0xa5: {  	_ = 	snop  }
0xa6: {  	[spmem:s4] =	stream.indirect.scatter.add.f32 [tilespmem:s13], [sflag:$0x7], $0x10, s23, s24, $0xb8;
	[tilespmem:$0x1D740] =	vst v63  }
0xa7: {  	_ =	swait.ge [sflag:s14], $0x2800  }
0xa8: {  	[sflag:s14] =	ssyncset.done $0x0  }
0xa9: {  	[sflag:s14] =	ssyncadd.s32 $0xFFFFD800  }
0xaa: {  	s12 =	sadd.s32 s12, s17;
	_ =	swait.ge [sflag:s14], $0x500  }
0xab: {  	s0 =	sshrl.u32 s12, $0x3;
	[sflag:s14] =	ssyncset.done $0x0  }
0xac: {  	s21 =	sadd.s32 s9, s0;
	s31 =	simm.s32 $0x0;
	[sflag:s14] =	ssyncadd.s32 $0xFFFFFB00  }
0xad: {  	[tilespmem:s31], [sflag:$0x9] =	stream.linear.gather [hbm4b:s21+s31], $0x50, $0x38;
	[tilespmem:$0x1D740] =	vst v63  }
0xae: {  	_ =	swait.ge [sflag:s22], $0x50  }
0xaf: {  	[sflag:s22] =	ssyncset.done $0x0  }
0xb0: {  	s0 =	sadd.s32 s10, s0;
	[sflag:s22] =	ssyncadd.s32 $0xFFFFFFB0  }
0xb1: {  	[tilespmem:s23], [sflag:$0x9] =	stream.linear.gather [hbm4b:s0+s31], $0x50, $0x38;
	[tilespmem:$0x1D740] =	vst v63  }
0xb2: {  	_ =	swait.ge [sflag:s22], $0x50  }
0xb3: {  	[sflag:s22] =	ssyncset.done $0x0  }
0xb4: {  	[sflag:s22] =	ssyncadd.s32 $0xFFFFFFB0  }
0xb5: {  	[tilespmem:s25], [sflag:$0x1] =	stream.indirect.gather [hbm4b:s6+s24], $0x80, s31, s24, $0xb8;
	[tilespmem:$0x1D740] =	vst v63  }
0xb6: {  	_ = 	snop  }
0xb7: {  	[tilespmem:s26], [sflag:$0x3] =	stream.indirect.gather [hbm4b:s7+s24], $0x10, s31, s24, $0xb8;
	[tilespmem:$0x1D740] =	vst v63  }
0xb8: {  	_ = 	snop  }
0xb9: {  	[tilespmem:s28], [sflag:$0x5] =	stream.indirect.gather [hbm4b:s8+s24], $0x10, s23, s24, $0xb8;
	[tilespmem:$0x1D740] =	vst v63  }
0xba: {  	_ =	swait.ge [sflag:s15], $0x2800  }
0xbb: {  	[sflag:s15] =	ssyncset.done $0x0  }
0xbc: {  	[sflag:s15] =	ssyncadd.s32 $0xFFFFD800  }
0xbd: {  	_ =	swait.ge [sflag:s18], $0x500  }
0xbe: {  	[sflag:s18] =	ssyncset.done $0x0  }
0xbf: {  	[sflag:s18] =	ssyncadd.s32 $0xFFFFFB00  }
0xc0: {  	_ =	swait.ge [sflag:s19], $0x500  }
0xc1: {  	[sflag:s19] =	ssyncset.done $0x0  }
0xc2: {  	s31 =	simm.s32 $0x0;
	[sflag:s19] =	ssyncadd.s32 $0xFFFFFB00  }
0xc3: {  	v0 =	vld [tilespmem:s31+$0x6A40]  }
0xc4: {  	v1 =	vld [tilespmem:s31+$0x6040];
	_ =	sdelay $0x4  }
0xc5: {  	v0 =	vadd.f32 v0, v1;
	_ =	sdelay $0x1  }
0xc6: {  	v1 =	vmul.f32 $2.000000030e-01, v0  }
0xc7: {  	vm1 =	vgt.f32 v0, $0.0e+00  }
0xc8: {  	v0 =	vsel vm1, v0, v1  }
0xc9: {  	v0 =	vmul.f32 $1.442695020e+00, v0;
	_ =	sdelay $0x1  }
0xca: {  	(erf) = vpow2.f32 v0;
	_ =	sdelay $0x8  }
0xcb: {  	v0 =	vpop (erf)  }
0xcc: {  	v1 =	vbroadcast v0, $0x0;
	v0 =	vbroadcast v0, $0x1;
	_ =	sdelay $0x1  }
0xcd: {  	v2 =	vsel vm0, v1, v0  }
0xce: {  	s12 =	simm.s32 $0x2980;
	[tilespmem:s31+$0x5640] =	vst v2  }
0xcf: {  	v2 =	vld [tilespmem:s12+$0x30]  }
0xd0: {  	v3 =	vld [tilespmem:s12+$0x20]  }
0xd1: {  	v58 =	vld [tilespmem:s12+$0x10]  }
0xd2: {  	v59 =	vld [tilespmem:s12+$0x0]  }
0xd3: {  	v60 =	vld [tilespmem:s12+$0xFFFFFFF0]  }
0xd4: {  	v61 =	vld [tilespmem:s12+$0xFFFFFFE0];
	v2 =	vmul.f32 v2, v0  }
0xd5: {  	v62 =	vld [tilespmem:s12+$0xFFFFFFD0];
	v3 =	vmul.f32 v3, v0  }
0xd6: {  	v63 =	vld [tilespmem:s12+$0xFFFFFFC0];
	v4 =	vmul.f32 v58, v0;
	[tilespmem:s12+$0x30] =	vst v2  }
0xd7: {  	v0 =	vmul.f32 v59, v0;
	[tilespmem:s12+$0x20] =	vst v3  }
0xd8: {  	v2 =	vmul.f32 v60, v1;
	[tilespmem:s12+$0x10] =	vst v4  }
0xd9: {  	v3 =	vmul.f32 v1, v61;
	[tilespmem:s12+$0x0] =	vst v0  }
0xda: {  	v0 =	vmul.f32 v1, v62;
	[tilespmem:s12+$0xFFFFFFF0] =	vst v2  }
0xdb: {  	v1 =	vmul.f32 v1, v63;
	[tilespmem:s12+$0xFFFFFFE0] =	vst v3  }
0xdc: {  	[tilespmem:s12+$0xFFFFFFD0] =	vst v0  }
0xdd: {  	s0 =	simm.s32 $0x10;
	[tilespmem:s12+$0xFFFFFFC0] =	vst v1  }
0xde: {  	s21 =	simm.s32 $0x80;
	v0 =	vld [tilespmem:s0+$0x6A40]  }
.LBB2_5:
0xdf: {  	p0 =	sne.s32 s21, $0x13C0;
	v1 =	vld [tilespmem:s0+$0x6040];
	_ =	sdelay $0x4  }
0xe0: {  	v0 =	vadd.f32 v0, v1;
	_ =	sdelay $0x1  }
0xe1: {  	v1 =	vmul.f32 $2.000000030e-01, v0  }
0xe2: {  	vm1 =	vgt.f32 v0, $0.0e+00  }
0xe3: {  	v0 =	vsel vm1, v0, v1  }
0xe4: {  	v0 =	vmul.f32 $1.442695020e+00, v0;
	_ =	sdelay $0x1  }
0xe5: {  	(erf) = vpow2.f32 v0;
	_ =	sdelay $0x8  }
0xe6: {  	v0 =	vpop (erf)  }
0xe7: {  	v1 =	vbroadcast v0, $0x0;
	v0 =	vbroadcast v0, $0x1;
	_ =	sdelay $0x1  }
0xe8: {  	v2 =	vsel vm0, v1, v0  }
0xe9: {  	s12 =	sadd.s32 $0x80, s12;
	[tilespmem:s0+$0x5640] =	vst v2  }
0xea: {  	v2 =	vld [tilespmem:s12+$0x30]  }
0xeb: {  	v3 =	vld [tilespmem:s12+$0x20]  }
0xec: {  	v4 =	vld [tilespmem:s12+$0x10]  }
0xed: {  	v5 =	vld [tilespmem:s12+$0x0]  }
0xee: {  	v6 =	vld [tilespmem:s12+$0xFFFFFFF0]  }
0xef: {  	v7 =	vld [tilespmem:s12+$0xFFFFFFE0];
	v2 =	vmul.f32 v2, v0  }
0xf0: {  	v8 =	vld [tilespmem:s12+$0xFFFFFFD0];
	v3 =	vmul.f32 v3, v0  }
0xf1: {  	v9 =	vld [tilespmem:s12+$0xFFFFFFC0];
	v4 =	vmul.f32 v4, v0;
	[tilespmem:s12+$0x30] =	vst v2  }
0xf2: {  	v0 =	vmul.f32 v5, v0;
	[tilespmem:s12+$0x20] =	vst v3  }
0xf3: {  	v2 =	vmul.f32 v6, v1;
	[tilespmem:s12+$0x10] =	vst v4  }
0xf4: {  	v3 =	vmul.f32 v1, v7;
	[tilespmem:s12+$0x0] =	vst v0  }
.Ltmp1:
0xf5: {  	v0 =	vmul.f32 v1, v8;
	[tilespmem:s12+$0xFFFFFFF0] =	vst v2;
	(pc) =	sbr.rel @p0 .LBB2_5-.Ltmp1, $4  }
0xf6: {  	v1 =	vmul.f32 v1, v9;
	[tilespmem:s12+$0xFFFFFFE0] =	vst v3  }
0xf7: {  	[tilespmem:s12+$0xFFFFFFD0] =	vst v0  }
0xf8: {  	s0 =	sshra.s32 s21, $0x2;
	[tilespmem:s12+$0xFFFFFFC0] =	vst v1  }
0xf9: {  	s21 =	sadd.s32 $0x40, s21;
	v0 =	vld [tilespmem:s0+$0x6A40]  }
0xfa: {  	v1 =	vld [tilespmem:s0+$0x6040];
	_ =	sdelay $0x4  }
0xfb: {  	v0 =	vadd.f32 v0, v1;
	_ =	sdelay $0x1  }
0xfc: {  	v1 =	vmul.f32 $2.000000030e-01, v0  }
0xfd: {  	vm1 =	vgt.f32 v0, $0.0e+00  }
0xfe: {  	v0 =	vsel vm1, v0, v1  }
0xff: {  	v0 =	vmul.f32 $1.442695020e+00, v0;
	_ =	sdelay $0x1  }
0x100: {  	(erf) = vpow2.f32 v0;
	_ =	sdelay $0x8  }
0x101: {  	v0 =	vpop (erf)  }
0x102: {  	v60 =	vbroadcast v0, $0x0;
	v0 =	vbroadcast v0, $0x1;
	_ =	sdelay $0x1  }
0x103: {  	v2 =	vsel vm0, v60, v0  }
0x104: {  	s31 =	sadd.s32 $0x80, s12;
	[tilespmem:s0+$0x5640] =	vst v2  }
0x105: {  	v2 =	vld [tilespmem:s31+$0x30]  }
0x106: {  	v3 =	vld [tilespmem:s31+$0x20]  }
0x107: {  	v4 =	vld [tilespmem:s31+$0x10]  }
0x108: {  	v5 =	vld [tilespmem:s31+$0x0]  }
0x109: {  	v6 =	vld [tilespmem:s31+$0xFFFFFFF0]  }
0x10a: {  	v7 =	vld [tilespmem:s31+$0xFFFFFFE0];
	v2 =	vmul.f32 v2, v0  }
0x10b: {  	v8 =	vld [tilespmem:s31+$0xFFFFFFD0];
	v3 =	vmul.f32 v3, v0  }
0x10c: {  	v9 =	vld [tilespmem:s31+$0xFFFFFFC0];
	v4 =	vmul.f32 v4, v0;
	[tilespmem:s31+$0x30] =	vst v2  }
0x10d: {  	v0 =	vmul.f32 v5, v0;
	[tilespmem:s31+$0x20] =	vst v3  }
0x10e: {  	v61 =	vmul.f32 v6, v60;
	[tilespmem:s31+$0x10] =	vst v4  }
0x10f: {  	v62 =	vmul.f32 v60, v7;
	[tilespmem:s31+$0x0] =	vst v0  }
0x110: {  	s5 =	sadd.s32 $0x1, s5;
	v63 =	vmul.f32 v60, v8;
	[tilespmem:s31+$0xFFFFFFF0] =	vst v61  }
0x111: {  	p0 =	sne.s32 s5, $0x3E;
	v1 =	vmul.f32 v60, v9;
	[tilespmem:s31+$0xFFFFFFE0] =	vst v62  }
.Ltmp2:
0x112: {  	[tilespmem:s31+$0xFFFFFFD0] =	vst v63;
	(pc) =	sbr.rel @p0 .LBB2_2-.Ltmp2, $4  }
0x113: {  	[tilespmem:s31+$0xFFFFFFC0] =	vst v1  }
0x114: {  	[spmem:s2] =	stream.indirect.scatter.add.f32 [tilespmem:s30], [sflag:$0x8], $0x80, s29, s24, $0xb8;
	[tilespmem:$0x1D740] =	vst v63  }
0x115: {  	_ = 	snop  }
0x116: {  	[spmem:s4] =	stream.indirect.scatter.add.f32 [tilespmem:s20], [sflag:$0x8], $0x10, s29, s24, $0xb8;
	[tilespmem:$0x1D740] =	vst v63  }
0x117: {  	s0 =	simm.s32 $0x8  }
0x118: {  	_ =	swait.ge [sflag:s0], $0x2800  }
0x119: {  	[sflag:s0] =	ssyncset.done $0x0  }
0x11a: {  	[sflag:s0] =	ssyncadd.s32 $0xFFFFD800  }
0x11b: {  	_ =	swait.ge [sflag:s0], $0x500  }
0x11c: {  	[sflag:s0] =	ssyncset.done $0x0  }
0x11d: {  	[sflag:s0] =	ssyncadd.s32 $0xFFFFFB00  }
0x11e: {  	_ =	swait.ge [sflag:s3], $0x2800  }
0x11f: {  	[sflag:s3] =	ssyncset.done $0x0  }
0x120: {  	[sflag:s3] =	ssyncadd.s32 $0xFFFFD800  }
0x121: {  	_ =	swait.ge [sflag:s1], $0x500  }
0x122: {  	[sflag:s1] =	ssyncset.done $0x0  }
0x123: {  	[sflag:s1] =	ssyncadd.s32 $0xFFFFFB00  }
0x124: {  	_ =	swait.ge [sflag:s11], $0x500  }
0x125: {  	[sflag:s11] =	ssyncset.done $0x0  }
0x126: {  	s31 =	simm.s32 $0x0;
	[sflag:s11] =	ssyncadd.s32 $0xFFFFFB00  }
0x127: {  	v0 =	vld [tilespmem:s31+$0x6540]  }
0x128: {  	v1 =	vld [tilespmem:s31+$0x5B40];
	_ =	sdelay $0x4  }
0x129: {  	v0 =	vadd.f32 v0, v1;
	_ =	sdelay $0x1  }
0x12a: {  	v1 =	vmul.f32 $2.000000030e-01, v0  }
0x12b: {  	vm1 =	vgt.f32 v0, $0.0e+00  }
0x12c: {  	v0 =	vsel vm1, v0, v1  }
0x12d: {  	v0 =	vmul.f32 $1.442695020e+00, v0;
	_ =	sdelay $0x1  }
0x12e: {  	(erf) = vpow2.f32 v0;
	_ =	sdelay $0x8  }
0x12f: {  	v0 =	vpop (erf)  }
0x130: {  	v1 =	vbroadcast v0, $0x0;
	v0 =	vbroadcast v0, $0x1;
	_ =	sdelay $0x1  }
0x131: {  	v2 =	vsel vm0, v1, v0  }
0x132: {  	s5 =	simm.s32 $0x180;
	[tilespmem:s31+$0x5140] =	vst v2  }
0x133: {  	v2 =	vld [tilespmem:s5+$0x30]  }
0x134: {  	v3 =	vld [tilespmem:s5+$0x20]  }
0x135: {  	v4 =	vld [tilespmem:s5+$0x10]  }
0x136: {  	v5 =	vld [tilespmem:s5+$0x0]  }
0x137: {  	v6 =	vld [tilespmem:s5+$0xFFFFFFF0]  }
0x138: {  	v7 =	vld [tilespmem:s5+$0xFFFFFFE0];
	v2 =	vmul.f32 v2, v0  }
0x139: {  	v8 =	vld [tilespmem:s5+$0xFFFFFFD0];
	v3 =	vmul.f32 v3, v0  }
0x13a: {  	v9 =	vld [tilespmem:s5+$0xFFFFFFC0];
	v4 =	vmul.f32 v4, v0;
	[tilespmem:s5+$0x30] =	vst v2  }
0x13b: {  	v0 =	vmul.f32 v5, v0;
	[tilespmem:s5+$0x20] =	vst v3  }
0x13c: {  	v2 =	vmul.f32 v6, v1;
	[tilespmem:s5+$0x10] =	vst v4  }
0x13d: {  	v3 =	vmul.f32 v1, v7;
	[tilespmem:s5+$0x0] =	vst v0  }
0x13e: {  	v0 =	vmul.f32 v1, v8;
	[tilespmem:s5+$0xFFFFFFF0] =	vst v2  }
0x13f: {  	v1 =	vmul.f32 v1, v9;
	[tilespmem:s5+$0xFFFFFFE0] =	vst v3  }
0x140: {  	[tilespmem:s5+$0xFFFFFFD0] =	vst v0  }
0x141: {  	s0 =	simm.s32 $0x10;
	[tilespmem:s5+$0xFFFFFFC0] =	vst v1  }
0x142: {  	s12 =	simm.s32 $0x80;
	v0 =	vld [tilespmem:s0+$0x6540]  }
.LBB2_8:
0x143: {  	p0 =	sne.s32 s12, $0x13C0;
	v1 =	vld [tilespmem:s0+$0x5B40];
	_ =	sdelay $0x4  }
0x144: {  	v0 =	vadd.f32 v0, v1;
	_ =	sdelay $0x1  }
0x145: {  	v1 =	vmul.f32 $2.000000030e-01, v0  }
0x146: {  	vm1 =	vgt.f32 v0, $0.0e+00  }
0x147: {  	v0 =	vsel vm1, v0, v1  }
0x148: {  	v0 =	vmul.f32 $1.442695020e+00, v0;
	_ =	sdelay $0x1  }
0x149: {  	(erf) = vpow2.f32 v0;
	_ =	sdelay $0x8  }
0x14a: {  	v0 =	vpop (erf)  }
0x14b: {  	v1 =	vbroadcast v0, $0x0;
	v0 =	vbroadcast v0, $0x1;
	_ =	sdelay $0x1  }
0x14c: {  	v2 =	vsel vm0, v1, v0  }
0x14d: {  	s5 =	sadd.s32 $0x80, s5;
	[tilespmem:s0+$0x5140] =	vst v2  }
0x14e: {  	v2 =	vld [tilespmem:s5+$0x30]  }
0x14f: {  	v3 =	vld [tilespmem:s5+$0x20]  }
0x150: {  	v4 =	vld [tilespmem:s5+$0x10]  }
0x151: {  	v5 =	vld [tilespmem:s5+$0x0]  }
0x152: {  	v6 =	vld [tilespmem:s5+$0xFFFFFFF0]  }
0x153: {  	v7 =	vld [tilespmem:s5+$0xFFFFFFE0];
	v2 =	vmul.f32 v2, v0  }
0x154: {  	v8 =	vld [tilespmem:s5+$0xFFFFFFD0];
	v3 =	vmul.f32 v3, v0  }
0x155: {  	v9 =	vld [tilespmem:s5+$0xFFFFFFC0];
	v4 =	vmul.f32 v4, v0;
	[tilespmem:s5+$0x30] =	vst v2  }
0x156: {  	v0 =	vmul.f32 v5, v0;
	[tilespmem:s5+$0x20] =	vst v3  }
0x157: {  	v2 =	vmul.f32 v6, v1;
	[tilespmem:s5+$0x10] =	vst v4  }
0x158: {  	v3 =	vmul.f32 v1, v7;
	[tilespmem:s5+$0x0] =	vst v0  }
.Ltmp3:
0x159: {  	v0 =	vmul.f32 v1, v8;
	[tilespmem:s5+$0xFFFFFFF0] =	vst v2;
	(pc) =	sbr.rel @p0 .LBB2_8-.Ltmp3, $4  }
0x15a: {  	v1 =	vmul.f32 v1, v9;
	[tilespmem:s5+$0xFFFFFFE0] =	vst v3  }
0x15b: {  	[tilespmem:s5+$0xFFFFFFD0] =	vst v0  }
0x15c: {  	s0 =	sshra.s32 s12, $0x2;
	[tilespmem:s5+$0xFFFFFFC0] =	vst v1  }
0x15d: {  	s12 =	sadd.s32 $0x40, s12;
	v0 =	vld [tilespmem:s0+$0x6540]  }
0x15e: {  	v1 =	vld [tilespmem:s0+$0x5B40];
	_ =	sdelay $0x4  }
0x15f: {  	v0 =	vadd.f32 v0, v1;
	_ =	sdelay $0x1  }
0x160: {  	v1 =	vmul.f32 $2.000000030e-01, v0  }
0x161: {  	vm1 =	vgt.f32 v0, $0.0e+00  }
0x162: {  	v0 =	vsel vm1, v0, v1  }
0x163: {  	v0 =	vmul.f32 $1.442695020e+00, v0;
	_ =	sdelay $0x1  }
0x164: {  	(erf) = vpow2.f32 v0;
	_ =	sdelay $0x8  }
0x165: {  	v0 =	vpop (erf)  }
0x166: {  	v60 =	vbroadcast v0, $0x0;
	v0 =	vbroadcast v0, $0x1;
	_ =	sdelay $0x1  }
0x167: {  	v2 =	vsel vm0, v60, v0  }
0x168: {  	s5 =	sadd.s32 $0x80, s5;
	[tilespmem:s0+$0x5140] =	vst v2  }
0x169: {  	v2 =	vld [tilespmem:s5+$0x30]  }
0x16a: {  	v3 =	vld [tilespmem:s5+$0x20]  }
0x16b: {  	v4 =	vld [tilespmem:s5+$0x10]  }
0x16c: {  	v5 =	vld [tilespmem:s5+$0x0]  }
0x16d: {  	v6 =	vld [tilespmem:s5+$0xFFFFFFF0]  }
0x16e: {  	v7 =	vld [tilespmem:s5+$0xFFFFFFE0];
	v2 =	vmul.f32 v2, v0  }
0x16f: {  	v8 =	vld [tilespmem:s5+$0xFFFFFFD0];
	v3 =	vmul.f32 v3, v0  }
0x170: {  	v9 =	vld [tilespmem:s5+$0xFFFFFFC0];
	v4 =	vmul.f32 v4, v0;
	[tilespmem:s5+$0x30] =	vst v2  }
0x171: {  	v0 =	vmul.f32 v5, v0;
	[tilespmem:s5+$0x20] =	vst v3  }
0x172: {  	v61 =	vmul.f32 v6, v60;
	[tilespmem:s5+$0x10] =	vst v4  }
0x173: {  	v62 =	vmul.f32 v60, v7;
	[tilespmem:s5+$0x0] =	vst v0  }
0x174: {  	v63 =	vmul.f32 v60, v8;
	[tilespmem:s5+$0xFFFFFFF0] =	vst v61  }
0x175: {  	v1 =	vmul.f32 v60, v9;
	[tilespmem:s5+$0xFFFFFFE0] =	vst v62  }
0x176: {  	[tilespmem:s5+$0xFFFFFFD0] =	vst v63  }
0x177: {  	[tilespmem:s5+$0xFFFFFFC0] =	vst v1  }
0x178: {  	[spmem:s2] =	stream.indirect.scatter.add.f32 [tilespmem:s25], [sflag:$0x7], $0x80, s23, s24, $0xb8;
	[tilespmem:$0x1D740] =	vst v63  }
0x179: {  	_ = 	snop  }
0x17a: {  	[spmem:s4] =	stream.indirect.scatter.add.f32 [tilespmem:s13], [sflag:$0x7], $0x10, s23, s24, $0xb8;
	[tilespmem:$0x1D740] =	vst v63  }
0x17b: {  	_ =	swait.ge [sflag:s14], $0x2800  }
0x17c: {  	[sflag:s14] =	ssyncset.done $0x0  }
0x17d: {  	[sflag:s14] =	ssyncadd.s32 $0xFFFFD800  }
0x17e: {  	_ =	swait.ge [sflag:s14], $0x500  }
0x17f: {  	[sflag:s14] =	ssyncset.done $0x0  }
0x180: {  	[sflag:s14] =	ssyncadd.s32 $0xFFFFFB00  }
0x181: {  	[bflag:$0x0] =	sbarrier.arrive $0xFFFF  }
0x182: {  	s21 =	rddreg [dreg:$0x6]  }
0x183: {  	s12 =	rddreg [dreg:$0xa]  }
0x184: {  	s5 =	rddreg [dreg:$0xd]  }
0x185: {  	[hbm:s12], [sflag:s21] =	dma.local [spmem:s5], $0x2800  }
0x186: {  	_ =	swait.ge [sflag:s22], $0x2800  }
0x187: {  	[sflag:s22] =	ssyncset.done $0x0;
	s31 =	rddreg [dreg:$0xb]  }
0x188: {  	s12 =	rddreg [dreg:$0xf];
	[sflag:s22] =	ssyncadd.s32 $0xFFFFD800  }
0x189: {  	[hbm:s31], [sflag:s21] =	dma.local [spmem:s12], $0x500  }
0x18a: {  	_ =	swait.ge [sflag:s22], $0x500  }
0x18b: {  	s0 =	rddreg [dreg:$0xe]  }
0x18c: {  	s31 =	rddreg [dreg:$0xc];
	s12 =	sadd.s32 $0x1, s0  }
0x18d: {  	p0 =	sne.s32 s12, s31  }
.Ltmp4:
0x18e: {  	_ = 	snop;
	(pc) =	sbr.rel @p0 .LBB2_1-.Ltmp4, $3  }
0x18f: {  	_ =	sdelay $0x1  }
0x190: {  	[sflag:s22] =	ssyncset.done $0x0  }
0x191: {  	[sflag:s22] =	ssyncadd.s32 $0xFFFFFB00  }
0x192: {  	_ =	sfence.sel $0x180000  }
0x193: {  	[bflag:$0x0] =	sbarrier.arrive $0xFFFF  }
0x194: {  	_ =	strace $0x90000047  }
0x195: {  	s0 =	stileid.u32;
	[bflag:$0x2] =	sbarrier.arrive $0xFFFF  }
0x196: {  	p0 =	sne.s32 s0, $0x0;
	s0 =	rddreg [dreg:$0x4]  }
0x197: {  	s0 =	sadd.s32 @!p0 $0x100000, s0  }
0x198: {  	[sflag:s0] =	ssyncadd.tile.s32 @!p0 $0x1;
	_ =	shalt  }
.Lfunc_end2:
_tile_overlayer_lowered:
.L_overlay_start_2:
0x199: {  	(tag) =	ssettag $0x2  }
0x19a: {  	s0 =	rddreg [dreg:$0x0];
	s2 =	stileid.u32  }
0x19b: {  	s1 =	rddreg [dreg:$0x1];
	p0 =	sne.s32 s2, $0x0  }
0x19c: {  	s3 =	rddreg [dreg:$0x2];
	[bflag:$0x3] =	sbarrier.arrive $0xFFFF;
	s2 =	simm.s32 @!p0 $0x1C09  }
0x19d: {  	[timem:s3], [sflag:s2] =	dma.local @!p0 [hbm:s0], s1  }
0x19e: {  	s0 =	simm.s32 @!p0 $0x9  }
0x19f: {  	_ =	swait.ge @!p0 [sflag:s0], s1  }
0x1a0: {  	s1 =	ssub.s32 @!p0 $0x0, s1;
	[sflag:s0] =	ssyncset.done @!p0 $0x0  }
0x1a1: {  	[sflag:s0] =	ssyncadd.s32 @!p0 s1  }
0x1a2: {  	[bflag:$0x3] =	sbarrier.arrive $0xFFFF  }
0x1a3: {  	_ =	shalt  }

</sc_bundles>
